<compile_context>
chip_gen: v7x
topology: tpu7x:2x2x1
jax: 0.10.2.dev20260603
libtpu: 0.0.44.dev20260713+nightly
codegen_flags: <defaults>
</compile_context>

<pallas_src>
import functools

import jax
import jax.numpy as jnp
from jax import lax
from jax.experimental import pallas as pl
from jax.experimental.pallas import tpu as pltpu
from jax.experimental.pallas import tpu_sc as plsc

_VOCAB = 1000000
_EMBED = 128
_HIDDEN = 128
_OUTPUTS = 91
_BATCH = 16384
_CTX = 6
_N_ROWS = _BATCH * _CTX

_INFO = plsc.get_sparse_core_info()
_NC = _INFO.num_cores
_NS = _INFO.num_subcores
_NW = _NC * _NS

_CH = 384

_sc_mesh = plsc.VectorSubcoreMesh(core_axis_name="c", subcore_axis_name="s")


def _make_sc_gather(n_rows):
    b_per_w = n_rows // _NW
    n_ch = b_per_w // _CH

    @functools.partial(
        pl.kernel,
        mesh=_sc_mesh,
        out_type=jax.ShapeDtypeStruct((n_rows, _EMBED), jnp.float32),
        scratch_types=[
            pltpu.VMEM((b_per_w,), jnp.int32),
            pltpu.VMEM((2, _CH, _EMBED), jnp.float32),
            pltpu.SemaphoreType.DMA,
            pltpu.SemaphoreType.DMA,
        ],
    )
    def _sc_gather(idx_hbm, table_hbm, out_hbm, idx_v, rows_v, sem0, sem1):
        wid = lax.axis_index("s") * _NC + lax.axis_index("c")
        base = wid * b_per_w
        pltpu.sync_copy(idx_hbm.at[pl.ds(base, b_per_w)], idx_v)
        sems = (sem0, sem1)
        pending = pltpu.async_copy(
            table_hbm.at[idx_v.at[pl.ds(0, _CH)]], rows_v.at[0], sems[0]
        )
        for c in range(n_ch):
            nxt = None
            if c + 1 < n_ch:
                nxt = pltpu.async_copy(
                    table_hbm.at[idx_v.at[pl.ds((c + 1) * _CH, _CH)]],
                    rows_v.at[(c + 1) % 2],
                    sems[(c + 1) % 2],
                )
            pending.wait()
            pltpu.sync_copy(
                rows_v.at[c % 2], out_hbm.at[pl.ds(base + c * _CH, _CH)]
            )
            pending = nxt

    return _sc_gather


def _mlp_body(x_ref, w1_ref, b1_ref, w2_ref, b2_ref, o_ref):
    h = jnp.dot(x_ref[0], w1_ref[0], preferred_element_type=jnp.float32)
    for j in range(1, _CTX):
        h = h + jnp.dot(x_ref[j], w1_ref[j], preferred_element_type=jnp.float32)
    h = jnp.maximum(h + b1_ref[...], 0.0)
    o_ref[...] = (
        jnp.dot(h, w2_ref[...], preferred_element_type=jnp.float32) + b2_ref[...]
    )


def _mlp_body_chain(x_ref, w1_ref, b1_ref, w2_ref, b2_ref, prev_ref, o_ref):
    del prev_ref
    _mlp_body(x_ref, w1_ref, b1_ref, w2_ref, b2_ref, o_ref)


_BM = 1024


def _mlp_split(x, W1, b1, W2, b2, prev, base_row, h):
    nblk = h // _BM
    base = base_row // _BM
    common = dict(
        grid=(nblk,),
        out_specs=pl.BlockSpec((_BM, _OUTPUTS), lambda i: (i + base, 0)),
        out_shape=jax.ShapeDtypeStruct((_BATCH, _OUTPUTS), jnp.float32),
    )
    in_specs = [
        pl.BlockSpec((_CTX, _BM, _EMBED), lambda i: (0, i, 0)),
        pl.BlockSpec((_CTX, _EMBED, _HIDDEN), lambda i: (0, 0, 0)),
        pl.BlockSpec((1, _HIDDEN), lambda i: (0, 0)),
        pl.BlockSpec((_HIDDEN, _OUTPUTS), lambda i: (0, 0)),
        pl.BlockSpec((1, _OUTPUTS), lambda i: (0, 0)),
    ]
    args = (x, W1, b1.reshape(1, -1), W2, b2.reshape(1, -1))
    if prev is None:
        return pl.pallas_call(_mlp_body, in_specs=in_specs, **common)(*args)
    return pl.pallas_call(
        _mlp_body_chain,
        in_specs=in_specs + [pl.BlockSpec(memory_space=pl.ANY)],
        input_output_aliases={5: 0},
        **common,
    )(*args, prev)


_SPLITS = (8192, 6144, 2048)
_sc_gathers = {h: _make_sc_gather(_CTX * h) for h in set(_SPLITS)}


def kernel(inputs, table, W1, b1, W2, b2):
    w1 = W1.reshape(_CTX, _EMBED, _HIDDEN)
    xs = []
    base = 0
    for h in _SPLITS:
        idx_t = inputs[base:base + h].T.reshape(-1)
        xs.append(_sc_gathers[h](idx_t, table).reshape(_CTX, h, _EMBED))
        base += h
    out = None
    base = 0
    for x, h in zip(xs, _SPLITS):
        out = _mlp_split(x, w1, b1, W2, b2, out, base, h)
        base += h
    return out

# --- scband reference (transcript-rebuilt; emitter-appended) ---
"""Pipeline reference for scband-dependency-model-1812476199300 (READ-ONLY COPY).

The authoritative reference and input builder live on the scoring server;
editing this copy changes nothing except your own understanding.
"""

import jax, jax.numpy as jnp
import numpy as np

VOCAB = 1000000
EMBED = 128
HIDDEN = 128
OUTPUTS = 91
BATCH = 16384
CTX = 6

def setup_inputs(seed: int = 0) -> dict:
    key = jax.random.key(seed)
    k_idx, k_tab, k_w1, k_b1, k_w2, k_b2 = jax.random.split(key, 6)
    inputs = jax.random.randint(k_idx, (BATCH, CTX), 0, VOCAB, dtype=jnp.int64 if jax.config.jax_enable_x64 else jnp.int32).astype(jnp.int32)
    table = jax.random.normal(k_tab, (VOCAB, EMBED), dtype=jnp.float32)
    W1 = jax.random.normal(k_w1, (CTX * EMBED, HIDDEN), dtype=jnp.float32) * 0.02
    b1 = jnp.zeros((HIDDEN,), dtype=jnp.float32)
    W2 = jax.random.normal(k_w2, (HIDDEN, OUTPUTS), dtype=jnp.float32) * 0.02
    b2 = jnp.zeros((OUTPUTS,), dtype=jnp.float32)
    return {"inputs": inputs, "table": table, "W1": W1, "b1": b1, "W2": W2, "b2": b2}

def reference(inputs, table, W1, b1, W2, b2):
    # Embedding lookup: [B, CTX, EMBED]
    embeds = jnp.take(table, inputs, axis=0)
    # view(-1, 768)
    embeds = embeds.reshape(-1, CTX * EMBED)
    # fc1 -> relu -> fc2
    h = jnp.maximum(embeds @ W1 + b1, 0.0)
    logits = h @ W2 + b2
    return logits

if __name__ == "__main__":
    import jax
    _d = setup_inputs()
    print(jax.jit(kernel)(*tuple(_d.values())))

</pallas_src>

<mosaic_0001>
#map = affine_map<(d0, d1) -> (0)>
#map1 = affine_map<(d0, d1) -> (0, 0)>
module attributes {stable_mosaic.version = 14 : i64} {
  func.func @_sc_gather(%arg0: i32, %arg1: i32, %arg2: memref<49152xi32, #tpu.memory_space<hbm>>, %arg3: memref<1000000x128xf32, #tpu.memory_space<hbm>>, %arg4: memref<49152x128xf32, #tpu.memory_space<hbm>>, %arg5: memref<1536xi32, #tpu.memory_space<vmem>>, %arg6: memref<2x384x128xf32, #tpu.memory_space<vmem>>, %arg7: memref<!tpu.dma_semaphore, #tpu.memory_space<semaphore_mem>>, %arg8: memref<!tpu.dma_semaphore, #tpu.memory_space<semaphore_mem>>) attributes {dimension_semantics = [#tpu.dimension_semantics<core_parallel>, #tpu.dimension_semantics<subcore_parallel>], iteration_bounds = array<i64: 2, 16>, scalar_prefetch = 0 : i64, scratch_operands = 4 : i64, tpu.core_type = #tpu.core_type<sc_vector_subcore>, window_params = [{transform_indices = #map}, {transform_indices = #map1}, {transform_indices = #map1}]} {
    %mul3A = arith.constant 2 : i32
    %mul3A_0 = arith.muli %arg1, %mul3A : i32
    %add3A = arith.addi %mul3A_0, %arg0 : i32
    %mul3A_1 = arith.constant 1536 : i32
    %mul3A_2 = arith.muli %add3A, %mul3A_1 : i32
    "tpu.region"() ({
      %run_scoped3A_92 = tpu.sem_alloc : memref<!tpu.dma_semaphore, #tpu.memory_space<semaphore_mem>>
      %dma_start3A_93 = tpu.memref_slice %arg2[%mul3A_2] : memref<49152xi32, #tpu.memory_space<hbm>> -> memref<1536xi32, #tpu.memory_space<hbm>>
      %dma_start3A_94 = tpu.memref_slice %arg2[%mul3A_2] : memref<49152xi32, #tpu.memory_space<hbm>> -> memref<1536xi32, #tpu.memory_space<hbm>>
      tpu.enqueue_dma source(%dma_start3A_94 : memref<1536xi32, #tpu.memory_space<hbm>>) target(%arg5 : memref<1536xi32, #tpu.memory_space<vmem>>) target_semaphore(%run_scoped3A_92 : memref<!tpu.dma_semaphore, #tpu.memory_space<semaphore_mem>>)
      %dma_wait3A_95 = tpu.memref_slice %arg2[%mul3A_2] : memref<49152xi32, #tpu.memory_space<hbm>> -> memref<1536xi32, #tpu.memory_space<hbm>>
      %dma_wait3A_96 = tpu.memref_slice %arg2[%mul3A_2] : memref<49152xi32, #tpu.memory_space<hbm>> -> memref<1536xi32, #tpu.memory_space<hbm>>
      tpu.wait_dma2 semaphore(%run_scoped3A_92 : memref<!tpu.dma_semaphore, #tpu.memory_space<semaphore_mem>>) src(%dma_wait3A_96 : memref<1536xi32, #tpu.memory_space<hbm>>) dst(%arg5 : memref<1536xi32, #tpu.memory_space<vmem>>)
      tpu.yield
    }) : () -> ()
    %dma_start3A = arith.constant 0 : i32
    %dma_start3A_3 = arith.constant 0 : i32
    %dma_start3A_4 = arith.constant 0 : i32
    %dma_start3A_5 = tpu.memref_slice %arg6[%dma_start3A, %dma_start3A_3, %dma_start3A_4] : memref<2x384x128xf32, #tpu.memory_space<vmem>> -> memref<1x384x128xf32, #tpu.memory_space<vmem>>
    %dma_start3A_6 = tpu.memref_squeeze %dma_start3A_5 : memref<1x384x128xf32, #tpu.memory_space<vmem>> -> memref<384x128xf32, #tpu.memory_space<vmem>>
    %dma_start3A_7 = arith.constant 0 : i32
    %dma_start3A_8 = tpu.memref_slice %arg5[%dma_start3A_7] : memref<1536xi32, #tpu.memory_space<vmem>> -> memref<384xi32, #tpu.memory_space<vmem>>
    %dma_start3A_9 = arith.constant 0 : i32
    %dma_start3A_10 = arith.constant 0 : i32
    %dma_start3A_11 = tpu.memref_slice %arg3[%dma_start3A_9, %dma_start3A_10] : memref<1000000x128xf32, #tpu.memory_space<hbm>> -> memref<1000000x128xf32, #tpu.memory_space<hbm>>
    tpu.enqueue_indirect_dma source(%dma_start3A_11 : memref<1000000x128xf32, #tpu.memory_space<hbm>>) target(%dma_start3A_6 : memref<384x128xf32, #tpu.memory_space<vmem>>) offsets(%dma_start3A_8 : memref<384xi32, #tpu.memory_space<vmem>>) semaphore(%arg7 : memref<!tpu.dma_semaphore, #tpu.memory_space<semaphore_mem>>)
    %dma_start3A_12 = arith.constant 1 : i32
    %dma_start3A_13 = arith.constant 0 : i32
    %dma_start3A_14 = arith.constant 0 : i32
    %dma_start3A_15 = tpu.memref_slice %arg6[%dma_start3A_12, %dma_start3A_13, %dma_start3A_14] : memref<2x384x128xf32, #tpu.memory_space<vmem>> -> memref<1x384x128xf32, #tpu.memory_space<vmem>>
    %dma_start3A_16 = tpu.memref_squeeze %dma_start3A_15 : memref<1x384x128xf32, #tpu.memory_space<vmem>> -> memref<384x128xf32, #tpu.memory_space<vmem>>
    %dma_start3A_17 = arith.constant 384 : i32
    %dma_start3A_18 = tpu.memref_slice %arg5[%dma_start3A_17] : memref<1536xi32, #tpu.memory_space<vmem>> -> memref<384xi32, #tpu.memory_space<vmem>>
    %dma_start3A_19 = arith.constant 0 : i32
    %dma_start3A_20 = arith.constant 0 : i32
    %dma_start3A_21 = tpu.memref_slice %arg3[%dma_start3A_19, %dma_start3A_20] : memref<1000000x128xf32, #tpu.memory_space<hbm>> -> memref<1000000x128xf32, #tpu.memory_space<hbm>>
    tpu.enqueue_indirect_dma source(%dma_start3A_21 : memref<1000000x128xf32, #tpu.memory_space<hbm>>) target(%dma_start3A_16 : memref<384x128xf32, #tpu.memory_space<vmem>>) offsets(%dma_start3A_18 : memref<384xi32, #tpu.memory_space<vmem>>) semaphore(%arg8 : memref<!tpu.dma_semaphore, #tpu.memory_space<semaphore_mem>>)
    %dma_wait3A = arith.constant 0 : i32
    %dma_wait3A_22 = arith.constant 0 : i32
    %dma_wait3A_23 = arith.constant 0 : i32
    %dma_wait3A_24 = tpu.memref_slice %arg6[%dma_wait3A, %dma_wait3A_22, %dma_wait3A_23] : memref<2x384x128xf32, #tpu.memory_space<vmem>> -> memref<1x384x128xf32, #tpu.memory_space<vmem>>
    %dma_wait3A_25 = tpu.memref_squeeze %dma_wait3A_24 : memref<1x384x128xf32, #tpu.memory_space<vmem>> -> memref<384x128xf32, #tpu.memory_space<vmem>>
    %dma_wait3A_26 = arith.constant 0 : i32
    %dma_wait3A_27 = tpu.memref_slice %arg5[%dma_wait3A_26] : memref<1536xi32, #tpu.memory_space<vmem>> -> memref<384xi32, #tpu.memory_space<vmem>>
    %dma_wait3A_28 = arith.constant 0 : i32
    %dma_wait3A_29 = arith.constant 0 : i32
    %dma_wait3A_30 = tpu.memref_slice %arg3[%dma_wait3A_28, %dma_wait3A_29] : memref<1000000x128xf32, #tpu.memory_space<hbm>> -> memref<1000000x128xf32, #tpu.memory_space<hbm>>
    tpu.wait_indirect_dma semaphore(%arg7 : memref<!tpu.dma_semaphore, #tpu.memory_space<semaphore_mem>>) src(%dma_wait3A_30 : memref<1000000x128xf32, #tpu.memory_space<hbm>>) dst(%dma_wait3A_25 : memref<384x128xf32, #tpu.memory_space<vmem>>)
    %add3A_31 = arith.constant 0 : i32
    %add3A_32 = arith.addi %mul3A_2, %add3A_31 : i32
    %run_scoped3A = arith.constant 0 : i32
    "tpu.region"() ({
      %run_scoped3A_92 = tpu.sem_alloc : memref<!tpu.dma_semaphore, #tpu.memory_space<semaphore_mem>>
      %dma_start3A_93 = arith.constant 0 : i32
      %dma_start3A_94 = arith.constant 0 : i32
      %dma_start3A_95 = tpu.memref_slice %arg6[%run_scoped3A, %dma_start3A_93, %dma_start3A_94] : memref<2x384x128xf32, #tpu.memory_space<vmem>> -> memref<1x384x128xf32, #tpu.memory_space<vmem>>
      %dma_start3A_96 = tpu.memref_squeeze %dma_start3A_95 : memref<1x384x128xf32, #tpu.memory_space<vmem>> -> memref<384x128xf32, #tpu.memory_space<vmem>>
      %dma_start3A_97 = arith.constant 0 : i32
      %dma_start3A_98 = tpu.memref_slice %arg4[%add3A_32, %dma_start3A_97] : memref<49152x128xf32, #tpu.memory_space<hbm>> -> memref<384x128xf32, #tpu.memory_space<hbm>>
      %dma_start3A_99 = arith.constant 0 : i32
      %dma_start3A_100 = tpu.memref_slice %arg4[%add3A_32, %dma_start3A_99] : memref<49152x128xf32, #tpu.memory_space<hbm>> -> memref<384x128xf32, #tpu.memory_space<hbm>>
      %dma_start3A_101 = arith.constant 0 : i32
      %dma_start3A_102 = arith.constant 0 : i32
      %dma_start3A_103 = tpu.memref_slice %arg6[%run_scoped3A, %dma_start3A_101, %dma_start3A_102] : memref<2x384x128xf32, #tpu.memory_space<vmem>> -> memref<1x384x128xf32, #tpu.memory_space<vmem>>
      %dma_start3A_104 = tpu.memref_squeeze %dma_start3A_103 : memref<1x384x128xf32, #tpu.memory_space<vmem>> -> memref<384x128xf32, #tpu.memory_space<vmem>>
      tpu.enqueue_dma source(%dma_start3A_104 : memref<384x128xf32, #tpu.memory_space<vmem>>) target(%dma_start3A_100 : memref<384x128xf32, #tpu.memory_space<hbm>>) target_semaphore(%run_scoped3A_92 : memref<!tpu.dma_semaphore, #tpu.memory_space<semaphore_mem>>)
      %dma_wait3A_105 = arith.constant 0 : i32
      %dma_wait3A_106 = arith.constant 0 : i32
      %dma_wait3A_107 = tpu.memref_slice %arg6[%run_scoped3A, %dma_wait3A_105, %dma_wait3A_106] : memref<2x384x128xf32, #tpu.memory_space<vmem>> -> memref<1x384x128xf32, #tpu.memory_space<vmem>>
      %dma_wait3A_108 = tpu.memref_squeeze %dma_wait3A_107 : memref<1x384x128xf32, #tpu.memory_space<vmem>> -> memref<384x128xf32, #tpu.memory_space<vmem>>
      %dma_wait3A_109 = arith.constant 0 : i32
      %dma_wait3A_110 = tpu.memref_slice %arg4[%add3A_32, %dma_wait3A_109] : memref<49152x128xf32, #tpu.memory_space<hbm>> -> memref<384x128xf32, #tpu.memory_space<hbm>>
      %dma_wait3A_111 = arith.constant 0 : i32
      %dma_wait3A_112 = tpu.memref_slice %arg4[%add3A_32, %dma_wait3A_111] : memref<49152x128xf32, #tpu.memory_space<hbm>> -> memref<384x128xf32, #tpu.memory_space<hbm>>
      %dma_wait3A_113 = arith.constant 0 : i32
      %dma_wait3A_114 = arith.constant 0 : i32
      %dma_wait3A_115 = tpu.memref_slice %arg6[%run_scoped3A, %dma_wait3A_113, %dma_wait3A_114] : memref<2x384x128xf32, #tpu.memory_space<vmem>> -> memref<1x384x128xf32, #tpu.memory_space<vmem>>
      %dma_wait3A_116 = tpu.memref_squeeze %dma_wait3A_115 : memref<1x384x128xf32, #tpu.memory_space<vmem>> -> memref<384x128xf32, #tpu.memory_space<vmem>>
      tpu.wait_dma2 semaphore(%run_scoped3A_92 : memref<!tpu.dma_semaphore, #tpu.memory_space<semaphore_mem>>) src(%dma_wait3A_116 : memref<384x128xf32, #tpu.memory_space<vmem>>) dst(%dma_wait3A_112 : memref<384x128xf32, #tpu.memory_space<hbm>>)
      tpu.yield
    }) : () -> ()
    %dma_start3A_33 = arith.constant 0 : i32
    %dma_start3A_34 = arith.constant 0 : i32
    %dma_start3A_35 = arith.constant 0 : i32
    %dma_start3A_36 = tpu.memref_slice %arg6[%dma_start3A_33, %dma_start3A_34, %dma_start3A_35] : memref<2x384x128xf32, #tpu.memory_space<vmem>> -> memref<1x384x128xf32, #tpu.memory_space<vmem>>
    %dma_start3A_37 = tpu.memref_squeeze %dma_start3A_36 : memref<1x384x128xf32, #tpu.memory_space<vmem>> -> memref<384x128xf32, #tpu.memory_space<vmem>>
    %dma_start3A_38 = arith.constant 768 : i32
    %dma_start3A_39 = tpu.memref_slice %arg5[%dma_start3A_38] : memref<1536xi32, #tpu.memory_space<vmem>> -> memref<384xi32, #tpu.memory_space<vmem>>
    %dma_start3A_40 = arith.constant 0 : i32
    %dma_start3A_41 = arith.constant 0 : i32
    %dma_start3A_42 = tpu.memref_slice %arg3[%dma_start3A_40, %dma_start3A_41] : memref<1000000x128xf32, #tpu.memory_space<hbm>> -> memref<1000000x128xf32, #tpu.memory_space<hbm>>
    tpu.enqueue_indirect_dma source(%dma_start3A_42 : memref<1000000x128xf32, #tpu.memory_space<hbm>>) target(%dma_start3A_37 : memref<384x128xf32, #tpu.memory_space<vmem>>) offsets(%dma_start3A_39 : memref<384xi32, #tpu.memory_space<vmem>>) semaphore(%arg7 : memref<!tpu.dma_semaphore, #tpu.memory_space<semaphore_mem>>)
    %dma_wait3A_43 = arith.constant 1 : i32
    %dma_wait3A_44 = arith.constant 0 : i32
    %dma_wait3A_45 = arith.constant 0 : i32
    %dma_wait3A_46 = tpu.memref_slice %arg6[%dma_wait3A_43, %dma_wait3A_44, %dma_wait3A_45] : memref<2x384x128xf32, #tpu.memory_space<vmem>> -> memref<1x384x128xf32, #tpu.memory_space<vmem>>
    %dma_wait3A_47 = tpu.memref_squeeze %dma_wait3A_46 : memref<1x384x128xf32, #tpu.memory_space<vmem>> -> memref<384x128xf32, #tpu.memory_space<vmem>>
    %dma_wait3A_48 = arith.constant 384 : i32
    %dma_wait3A_49 = tpu.memref_slice %arg5[%dma_wait3A_48] : memref<1536xi32, #tpu.memory_space<vmem>> -> memref<384xi32, #tpu.memory_space<vmem>>
    %dma_wait3A_50 = arith.constant 0 : i32
    %dma_wait3A_51 = arith.constant 0 : i32
    %dma_wait3A_52 = tpu.memref_slice %arg3[%dma_wait3A_50, %dma_wait3A_51] : memref<1000000x128xf32, #tpu.memory_space<hbm>> -> memref<1000000x128xf32, #tpu.memory_space<hbm>>
    tpu.wait_indirect_dma semaphore(%arg8 : memref<!tpu.dma_semaphore, #tpu.memory_space<semaphore_mem>>) src(%dma_wait3A_52 : memref<1000000x128xf32, #tpu.memory_space<hbm>>) dst(%dma_wait3A_47 : memref<384x128xf32, #tpu.memory_space<vmem>>)
    %add3A_53 = arith.constant 384 : i32
    %add3A_54 = arith.addi %mul3A_2, %add3A_53 : i32
    %run_scoped3A_55 = arith.constant 1 : i32
    "tpu.region"() ({
      %run_scoped3A_92 = tpu.sem_alloc : memref<!tpu.dma_semaphore, #tpu.memory_space<semaphore_mem>>
      %dma_start3A_93 = arith.constant 0 : i32
      %dma_start3A_94 = arith.constant 0 : i32
      %dma_start3A_95 = tpu.memref_slice %arg6[%run_scoped3A_55, %dma_start3A_93, %dma_start3A_94] : memref<2x384x128xf32, #tpu.memory_space<vmem>> -> memref<1x384x128xf32, #tpu.memory_space<vmem>>
      %dma_start3A_96 = tpu.memref_squeeze %dma_start3A_95 : memref<1x384x128xf32, #tpu.memory_space<vmem>> -> memref<384x128xf32, #tpu.memory_space<vmem>>
      %dma_start3A_97 = arith.constant 0 : i32
      %dma_start3A_98 = tpu.memref_slice %arg4[%add3A_54, %dma_start3A_97] : memref<49152x128xf32, #tpu.memory_space<hbm>> -> memref<384x128xf32, #tpu.memory_space<hbm>>
      %dma_start3A_99 = arith.constant 0 : i32
      %dma_start3A_100 = tpu.memref_slice %arg4[%add3A_54, %dma_start3A_99] : memref<49152x128xf32, #tpu.memory_space<hbm>> -> memref<384x128xf32, #tpu.memory_space<hbm>>
      %dma_start3A_101 = arith.constant 0 : i32
      %dma_start3A_102 = arith.constant 0 : i32
      %dma_start3A_103 = tpu.memref_slice %arg6[%run_scoped3A_55, %dma_start3A_101, %dma_start3A_102] : memref<2x384x128xf32, #tpu.memory_space<vmem>> -> memref<1x384x128xf32, #tpu.memory_space<vmem>>
      %dma_start3A_104 = tpu.memref_squeeze %dma_start3A_103 : memref<1x384x128xf32, #tpu.memory_space<vmem>> -> memref<384x128xf32, #tpu.memory_space<vmem>>
      tpu.enqueue_dma source(%dma_start3A_104 : memref<384x128xf32, #tpu.memory_space<vmem>>) target(%dma_start3A_100 : memref<384x128xf32, #tpu.memory_space<hbm>>) target_semaphore(%run_scoped3A_92 : memref<!tpu.dma_semaphore, #tpu.memory_space<semaphore_mem>>)
      %dma_wait3A_105 = arith.constant 0 : i32
      %dma_wait3A_106 = arith.constant 0 : i32
      %dma_wait3A_107 = tpu.memref_slice %arg6[%run_scoped3A_55, %dma_wait3A_105, %dma_wait3A_106] : memref<2x384x128xf32, #tpu.memory_space<vmem>> -> memref<1x384x128xf32, #tpu.memory_space<vmem>>
      %dma_wait3A_108 = tpu.memref_squeeze %dma_wait3A_107 : memref<1x384x128xf32, #tpu.memory_space<vmem>> -> memref<384x128xf32, #tpu.memory_space<vmem>>
      %dma_wait3A_109 = arith.constant 0 : i32
      %dma_wait3A_110 = tpu.memref_slice %arg4[%add3A_54, %dma_wait3A_109] : memref<49152x128xf32, #tpu.memory_space<hbm>> -> memref<384x128xf32, #tpu.memory_space<hbm>>
      %dma_wait3A_111 = arith.constant 0 : i32
      %dma_wait3A_112 = tpu.memref_slice %arg4[%add3A_54, %dma_wait3A_111] : memref<49152x128xf32, #tpu.memory_space<hbm>> -> memref<384x128xf32, #tpu.memory_space<hbm>>
      %dma_wait3A_113 = arith.constant 0 : i32
      %dma_wait3A_114 = arith.constant 0 : i32
      %dma_wait3A_115 = tpu.memref_slice %arg6[%run_scoped3A_55, %dma_wait3A_113, %dma_wait3A_114] : memref<2x384x128xf32, #tpu.memory_space<vmem>> -> memref<1x384x128xf32, #tpu.memory_space<vmem>>
      %dma_wait3A_116 = tpu.memref_squeeze %dma_wait3A_115 : memref<1x384x128xf32, #tpu.memory_space<vmem>> -> memref<384x128xf32, #tpu.memory_space<vmem>>
      tpu.wait_dma2 semaphore(%run_scoped3A_92 : memref<!tpu.dma_semaphore, #tpu.memory_space<semaphore_mem>>) src(%dma_wait3A_116 : memref<384x128xf32, #tpu.memory_space<vmem>>) dst(%dma_wait3A_112 : memref<384x128xf32, #tpu.memory_space<hbm>>)
      tpu.yield
    }) : () -> ()
    %dma_start3A_56 = arith.constant 1 : i32
    %dma_start3A_57 = arith.constant 0 : i32
    %dma_start3A_58 = arith.constant 0 : i32
    %dma_start3A_59 = tpu.memref_slice %arg6[%dma_start3A_56, %dma_start3A_57, %dma_start3A_58] : memref<2x384x128xf32, #tpu.memory_space<vmem>> -> memref<1x384x128xf32, #tpu.memory_space<vmem>>
    %dma_start3A_60 = tpu.memref_squeeze %dma_start3A_59 : memref<1x384x128xf32, #tpu.memory_space<vmem>> -> memref<384x128xf32, #tpu.memory_space<vmem>>
    %dma_start3A_61 = arith.constant 1152 : i32
    %dma_start3A_62 = tpu.memref_slice %arg5[%dma_start3A_61] : memref<1536xi32, #tpu.memory_space<vmem>> -> memref<384xi32, #tpu.memory_space<vmem>>
    %dma_start3A_63 = arith.constant 0 : i32
    %dma_start3A_64 = arith.constant 0 : i32
    %dma_start3A_65 = tpu.memref_slice %arg3[%dma_start3A_63, %dma_start3A_64] : memref<1000000x128xf32, #tpu.memory_space<hbm>> -> memref<1000000x128xf32, #tpu.memory_space<hbm>>
    tpu.enqueue_indirect_dma source(%dma_start3A_65 : memref<1000000x128xf32, #tpu.memory_space<hbm>>) target(%dma_start3A_60 : memref<384x128xf32, #tpu.memory_space<vmem>>) offsets(%dma_start3A_62 : memref<384xi32, #tpu.memory_space<vmem>>) semaphore(%arg8 : memref<!tpu.dma_semaphore, #tpu.memory_space<semaphore_mem>>)
    %dma_wait3A_66 = arith.constant 0 : i32
    %dma_wait3A_67 = arith.constant 0 : i32
    %dma_wait3A_68 = arith.constant 0 : i32
    %dma_wait3A_69 = tpu.memref_slice %arg6[%dma_wait3A_66, %dma_wait3A_67, %dma_wait3A_68] : memref<2x384x128xf32, #tpu.memory_space<vmem>> -> memref<1x384x128xf32, #tpu.memory_space<vmem>>
    %dma_wait3A_70 = tpu.memref_squeeze %dma_wait3A_69 : memref<1x384x128xf32, #tpu.memory_space<vmem>> -> memref<384x128xf32, #tpu.memory_space<vmem>>
    %dma_wait3A_71 = arith.constant 768 : i32
    %dma_wait3A_72 = tpu.memref_slice %arg5[%dma_wait3A_71] : memref<1536xi32, #tpu.memory_space<vmem>> -> memref<384xi32, #tpu.memory_space<vmem>>
    %dma_wait3A_73 = arith.constant 0 : i32
    %dma_wait3A_74 = arith.constant 0 : i32
    %dma_wait3A_75 = tpu.memref_slice %arg3[%dma_wait3A_73, %dma_wait3A_74] : memref<1000000x128xf32, #tpu.memory_space<hbm>> -> memref<1000000x128xf32, #tpu.memory_space<hbm>>
    tpu.wait_indirect_dma semaphore(%arg7 : memref<!tpu.dma_semaphore, #tpu.memory_space<semaphore_mem>>) src(%dma_wait3A_75 : memref<1000000x128xf32, #tpu.memory_space<hbm>>) dst(%dma_wait3A_70 : memref<384x128xf32, #tpu.memory_space<vmem>>)
    %add3A_76 = arith.constant 768 : i32
    %add3A_77 = arith.addi %mul3A_2, %add3A_76 : i32
    %run_scoped3A_78 = arith.constant 0 : i32
    "tpu.region"() ({
      %run_scoped3A_92 = tpu.sem_alloc : memref<!tpu.dma_semaphore, #tpu.memory_space<semaphore_mem>>
      %dma_start3A_93 = arith.constant 0 : i32
      %dma_start3A_94 = arith.constant 0 : i32
      %dma_start3A_95 = tpu.memref_slice %arg6[%run_scoped3A_78, %dma_start3A_93, %dma_start3A_94] : memref<2x384x128xf32, #tpu.memory_space<vmem>> -> memref<1x384x128xf32, #tpu.memory_space<vmem>>
      %dma_start3A_96 = tpu.memref_squeeze %dma_start3A_95 : memref<1x384x128xf32, #tpu.memory_space<vmem>> -> memref<384x128xf32, #tpu.memory_space<vmem>>
      %dma_start3A_97 = arith.constant 0 : i32
      %dma_start3A_98 = tpu.memref_slice %arg4[%add3A_77, %dma_start3A_97] : memref<49152x128xf32, #tpu.memory_space<hbm>> -> memref<384x128xf32, #tpu.memory_space<hbm>>
      %dma_start3A_99 = arith.constant 0 : i32
      %dma_start3A_100 = tpu.memref_slice %arg4[%add3A_77, %dma_start3A_99] : memref<49152x128xf32, #tpu.memory_space<hbm>> -> memref<384x128xf32, #tpu.memory_space<hbm>>
      %dma_start3A_101 = arith.constant 0 : i32
      %dma_start3A_102 = arith.constant 0 : i32
      %dma_start3A_103 = tpu.memref_slice %arg6[%run_scoped3A_78, %dma_start3A_101, %dma_start3A_102] : memref<2x384x128xf32, #tpu.memory_space<vmem>> -> memref<1x384x128xf32, #tpu.memory_space<vmem>>
      %dma_start3A_104 = tpu.memref_squeeze %dma_start3A_103 : memref<1x384x128xf32, #tpu.memory_space<vmem>> -> memref<384x128xf32, #tpu.memory_space<vmem>>
      tpu.enqueue_dma source(%dma_start3A_104 : memref<384x128xf32, #tpu.memory_space<vmem>>) target(%dma_start3A_100 : memref<384x128xf32, #tpu.memory_space<hbm>>) target_semaphore(%run_scoped3A_92 : memref<!tpu.dma_semaphore, #tpu.memory_space<semaphore_mem>>)
      %dma_wait3A_105 = arith.constant 0 : i32
      %dma_wait3A_106 = arith.constant 0 : i32
      %dma_wait3A_107 = tpu.memref_slice %arg6[%run_scoped3A_78, %dma_wait3A_105, %dma_wait3A_106] : memref<2x384x128xf32, #tpu.memory_space<vmem>> -> memref<1x384x128xf32, #tpu.memory_space<vmem>>
      %dma_wait3A_108 = tpu.memref_squeeze %dma_wait3A_107 : memref<1x384x128xf32, #tpu.memory_space<vmem>> -> memref<384x128xf32, #tpu.memory_space<vmem>>
      %dma_wait3A_109 = arith.constant 0 : i32
      %dma_wait3A_110 = tpu.memref_slice %arg4[%add3A_77, %dma_wait3A_109] : memref<49152x128xf32, #tpu.memory_space<hbm>> -> memref<384x128xf32, #tpu.memory_space<hbm>>
      %dma_wait3A_111 = arith.constant 0 : i32
      %dma_wait3A_112 = tpu.memref_slice %arg4[%add3A_77, %dma_wait3A_111] : memref<49152x128xf32, #tpu.memory_space<hbm>> -> memref<384x128xf32, #tpu.memory_space<hbm>>
      %dma_wait3A_113 = arith.constant 0 : i32
      %dma_wait3A_114 = arith.constant 0 : i32
      %dma_wait3A_115 = tpu.memref_slice %arg6[%run_scoped3A_78, %dma_wait3A_113, %dma_wait3A_114] : memref<2x384x128xf32, #tpu.memory_space<vmem>> -> memref<1x384x128xf32, #tpu.memory_space<vmem>>
      %dma_wait3A_116 = tpu.memref_squeeze %dma_wait3A_115 : memref<1x384x128xf32, #tpu.memory_space<vmem>> -> memref<384x128xf32, #tpu.memory_space<vmem>>
      tpu.wait_dma2 semaphore(%run_scoped3A_92 : memref<!tpu.dma_semaphore, #tpu.memory_space<semaphore_mem>>) src(%dma_wait3A_116 : memref<384x128xf32, #tpu.memory_space<vmem>>) dst(%dma_wait3A_112 : memref<384x128xf32, #tpu.memory_space<hbm>>)
      tpu.yield
    }) : () -> ()
    %dma_wait3A_79 = arith.constant 1 : i32
    %dma_wait3A_80 = arith.constant 0 : i32
    %dma_wait3A_81 = arith.constant 0 : i32
    %dma_wait3A_82 = tpu.memref_slice %arg6[%dma_wait3A_79, %dma_wait3A_80, %dma_wait3A_81] : memref<2x384x128xf32, #tpu.memory_space<vmem>> -> memref<1x384x128xf32, #tpu.memory_space<vmem>>
    %dma_wait3A_83 = tpu.memref_squeeze %dma_wait3A_82 : memref<1x384x128xf32, #tpu.memory_space<vmem>> -> memref<384x128xf32, #tpu.memory_space<vmem>>
    %dma_wait3A_84 = arith.constant 1152 : i32
    %dma_wait3A_85 = tpu.memref_slice %arg5[%dma_wait3A_84] : memref<1536xi32, #tpu.memory_space<vmem>> -> memref<384xi32, #tpu.memory_space<vmem>>
    %dma_wait3A_86 = arith.constant 0 : i32
    %dma_wait3A_87 = arith.constant 0 : i32
    %dma_wait3A_88 = tpu.memref_slice %arg3[%dma_wait3A_86, %dma_wait3A_87] : memref<1000000x128xf32, #tpu.memory_space<hbm>> -> memref<1000000x128xf32, #tpu.memory_space<hbm>>
    tpu.wait_indirect_dma semaphore(%arg8 : memref<!tpu.dma_semaphore, #tpu.memory_space<semaphore_mem>>) src(%dma_wait3A_88 : memref<1000000x128xf32, #tpu.memory_space<hbm>>) dst(%dma_wait3A_83 : memref<384x128xf32, #tpu.memory_space<vmem>>)
    %add3A_89 = arith.constant 1152 : i32
    %add3A_90 = arith.addi %mul3A_2, %add3A_89 : i32
    %run_scoped3A_91 = arith.constant 1 : i32
    "tpu.region"() ({
      %run_scoped3A_92 = tpu.sem_alloc : memref<!tpu.dma_semaphore, #tpu.memory_space<semaphore_mem>>
      %dma_start3A_93 = arith.constant 0 : i32
      %dma_start3A_94 = arith.constant 0 : i32
      %dma_start3A_95 = tpu.memref_slice %arg6[%run_scoped3A_91, %dma_start3A_93, %dma_start3A_94] : memref<2x384x128xf32, #tpu.memory_space<vmem>> -> memref<1x384x128xf32, #tpu.memory_space<vmem>>
      %dma_start3A_96 = tpu.memref_squeeze %dma_start3A_95 : memref<1x384x128xf32, #tpu.memory_space<vmem>> -> memref<384x128xf32, #tpu.memory_space<vmem>>
      %dma_start3A_97 = arith.constant 0 : i32
      %dma_start3A_98 = tpu.memref_slice %arg4[%add3A_90, %dma_start3A_97] : memref<49152x128xf32, #tpu.memory_space<hbm>> -> memref<384x128xf32, #tpu.memory_space<hbm>>
      %dma_start3A_99 = arith.constant 0 : i32
      %dma_start3A_100 = tpu.memref_slice %arg4[%add3A_90, %dma_start3A_99] : memref<49152x128xf32, #tpu.memory_space<hbm>> -> memref<384x128xf32, #tpu.memory_space<hbm>>
      %dma_start3A_101 = arith.constant 0 : i32
      %dma_start3A_102 = arith.constant 0 : i32
      %dma_start3A_103 = tpu.memref_slice %arg6[%run_scoped3A_91, %dma_start3A_101, %dma_start3A_102] : memref<2x384x128xf32, #tpu.memory_space<vmem>> -> memref<1x384x128xf32, #tpu.memory_space<vmem>>
      %dma_start3A_104 = tpu.memref_squeeze %dma_start3A_103 : memref<1x384x128xf32, #tpu.memory_space<vmem>> -> memref<384x128xf32, #tpu.memory_space<vmem>>
      tpu.enqueue_dma source(%dma_start3A_104 : memref<384x128xf32, #tpu.memory_space<vmem>>) target(%dma_start3A_100 : memref<384x128xf32, #tpu.memory_space<hbm>>) target_semaphore(%run_scoped3A_92 : memref<!tpu.dma_semaphore, #tpu.memory_space<semaphore_mem>>)
      %dma_wait3A_105 = arith.constant 0 : i32
      %dma_wait3A_106 = arith.constant 0 : i32
      %dma_wait3A_107 = tpu.memref_slice %arg6[%run_scoped3A_91, %dma_wait3A_105, %dma_wait3A_106] : memref<2x384x128xf32, #tpu.memory_space<vmem>> -> memref<1x384x128xf32, #tpu.memory_space<vmem>>
      %dma_wait3A_108 = tpu.memref_squeeze %dma_wait3A_107 : memref<1x384x128xf32, #tpu.memory_space<vmem>> -> memref<384x128xf32, #tpu.memory_space<vmem>>
      %dma_wait3A_109 = arith.constant 0 : i32
      %dma_wait3A_110 = tpu.memref_slice %arg4[%add3A_90, %dma_wait3A_109] : memref<49152x128xf32, #tpu.memory_space<hbm>> -> memref<384x128xf32, #tpu.memory_space<hbm>>
      %dma_wait3A_111 = arith.constant 0 : i32
      %dma_wait3A_112 = tpu.memref_slice %arg4[%add3A_90, %dma_wait3A_111] : memref<49152x128xf32, #tpu.memory_space<hbm>> -> memref<384x128xf32, #tpu.memory_space<hbm>>
      %dma_wait3A_113 = arith.constant 0 : i32
      %dma_wait3A_114 = arith.constant 0 : i32
      %dma_wait3A_115 = tpu.memref_slice %arg6[%run_scoped3A_91, %dma_wait3A_113, %dma_wait3A_114] : memref<2x384x128xf32, #tpu.memory_space<vmem>> -> memref<1x384x128xf32, #tpu.memory_space<vmem>>
      %dma_wait3A_116 = tpu.memref_squeeze %dma_wait3A_115 : memref<1x384x128xf32, #tpu.memory_space<vmem>> -> memref<384x128xf32, #tpu.memory_space<vmem>>
      tpu.wait_dma2 semaphore(%run_scoped3A_92 : memref<!tpu.dma_semaphore, #tpu.memory_space<semaphore_mem>>) src(%dma_wait3A_116 : memref<384x128xf32, #tpu.memory_space<vmem>>) dst(%dma_wait3A_112 : memref<384x128xf32, #tpu.memory_space<hbm>>)
      tpu.yield
    }) : () -> ()
    return
  }
}

#map = affine_map<(d0, d1) -> (0)>
#map1 = affine_map<(d0, d1) -> (0, 0)>
module attributes {stable_mosaic.version = 14 : i64} {
  func.func @_sc_gather(%arg0: i32, %arg1: i32, %arg2: memref<36864xi32, #tpu.memory_space<hbm>>, %arg3: memref<1000000x128xf32, #tpu.memory_space<hbm>>, %arg4: memref<36864x128xf32, #tpu.memory_space<hbm>>, %arg5: memref<1152xi32, #tpu.memory_space<vmem>>, %arg6: memref<2x384x128xf32, #tpu.memory_space<vmem>>, %arg7: memref<!tpu.dma_semaphore, #tpu.memory_space<semaphore_mem>>, %arg8: memref<!tpu.dma_semaphore, #tpu.memory_space<semaphore_mem>>) attributes {dimension_semantics = [#tpu.dimension_semantics<core_parallel>, #tpu.dimension_semantics<subcore_parallel>], iteration_bounds = array<i64: 2, 16>, scalar_prefetch = 0 : i64, scratch_operands = 4 : i64, tpu.core_type = #tpu.core_type<sc_vector_subcore>, window_params = [{transform_indices = #map}, {transform_indices = #map1}, {transform_indices = #map1}]} {
    %mul3A = arith.constant 2 : i32
    %mul3A_0 = arith.muli %arg1, %mul3A : i32
    %add3A = arith.addi %mul3A_0, %arg0 : i32
    %mul3A_1 = arith.constant 1152 : i32
    %mul3A_2 = arith.muli %add3A, %mul3A_1 : i32
    "tpu.region"() ({
      %run_scoped3A_69 = tpu.sem_alloc : memref<!tpu.dma_semaphore, #tpu.memory_space<semaphore_mem>>
      %dma_start3A_70 = tpu.memref_slice %arg2[%mul3A_2] : memref<36864xi32, #tpu.memory_space<hbm>> -> memref<1152xi32, #tpu.memory_space<hbm>>
      %dma_start3A_71 = tpu.memref_slice %arg2[%mul3A_2] : memref<36864xi32, #tpu.memory_space<hbm>> -> memref<1152xi32, #tpu.memory_space<hbm>>
      tpu.enqueue_dma source(%dma_start3A_71 : memref<1152xi32, #tpu.memory_space<hbm>>) target(%arg5 : memref<1152xi32, #tpu.memory_space<vmem>>) target_semaphore(%run_scoped3A_69 : memref<!tpu.dma_semaphore, #tpu.memory_space<semaphore_mem>>)
      %dma_wait3A_72 = tpu.memref_slice %arg2[%mul3A_2] : memref<36864xi32, #tpu.memory_space<hbm>> -> memref<1152xi32, #tpu.memory_space<hbm>>
      %dma_wait3A_73 = tpu.memref_slice %arg2[%mul3A_2] : memref<36864xi32, #tpu.memory_space<hbm>> -> memref<1152xi32, #tpu.memory_space<hbm>>
      tpu.wait_dma2 semaphore(%run_scoped3A_69 : memref<!tpu.dma_semaphore, #tpu.memory_space<semaphore_mem>>) src(%dma_wait3A_73 : memref<1152xi32, #tpu.memory_space<hbm>>) dst(%arg5 : memref<1152xi32, #tpu.memory_space<vmem>>)
      tpu.yield
    }) : () -> ()
    %dma_start3A = arith.constant 0 : i32
    %dma_start3A_3 = arith.constant 0 : i32
    %dma_start3A_4 = arith.constant 0 : i32
    %dma_start3A_5 = tpu.memref_slice %arg6[%dma_start3A, %dma_start3A_3, %dma_start3A_4] : memref<2x384x128xf32, #tpu.memory_space<vmem>> -> memref<1x384x128xf32, #tpu.memory_space<vmem>>
    %dma_start3A_6 = tpu.memref_squeeze %dma_start3A_5 : memref<1x384x128xf32, #tpu.memory_space<vmem>> -> memref<384x128xf32, #tpu.memory_space<vmem>>
    %dma_start3A_7 = arith.constant 0 : i32
    %dma_start3A_8 = tpu.memref_slice %arg5[%dma_start3A_7] : memref<1152xi32, #tpu.memory_space<vmem>> -> memref<384xi32, #tpu.memory_space<vmem>>
    %dma_start3A_9 = arith.constant 0 : i32
    %dma_start3A_10 = arith.constant 0 : i32
    %dma_start3A_11 = tpu.memref_slice %arg3[%dma_start3A_9, %dma_start3A_10] : memref<1000000x128xf32, #tpu.memory_space<hbm>> -> memref<1000000x128xf32, #tpu.memory_space<hbm>>
    tpu.enqueue_indirect_dma source(%dma_start3A_11 : memref<1000000x128xf32, #tpu.memory_space<hbm>>) target(%dma_start3A_6 : memref<384x128xf32, #tpu.memory_space<vmem>>) offsets(%dma_start3A_8 : memref<384xi32, #tpu.memory_space<vmem>>) semaphore(%arg7 : memref<!tpu.dma_semaphore, #tpu.memory_space<semaphore_mem>>)
    %dma_start3A_12 = arith.constant 1 : i32
    %dma_start3A_13 = arith.constant 0 : i32
    %dma_start3A_14 = arith.constant 0 : i32
    %dma_start3A_15 = tpu.memref_slice %arg6[%dma_start3A_12, %dma_start3A_13, %dma_start3A_14] : memref<2x384x128xf32, #tpu.memory_space<vmem>> -> memref<1x384x128xf32, #tpu.memory_space<vmem>>
    %dma_start3A_16 = tpu.memref_squeeze %dma_start3A_15 : memref<1x384x128xf32, #tpu.memory_space<vmem>> -> memref<384x128xf32, #tpu.memory_space<vmem>>
    %dma_start3A_17 = arith.constant 384 : i32
    %dma_start3A_18 = tpu.memref_slice %arg5[%dma_start3A_17] : memref<1152xi32, #tpu.memory_space<vmem>> -> memref<384xi32, #tpu.memory_space<vmem>>
    %dma_start3A_19 = arith.constant 0 : i32
    %dma_start3A_20 = arith.constant 0 : i32
    %dma_start3A_21 = tpu.memref_slice %arg3[%dma_start3A_19, %dma_start3A_20] : memref<1000000x128xf32, #tpu.memory_space<hbm>> -> memref<1000000x128xf32, #tpu.memory_space<hbm>>
    tpu.enqueue_indirect_dma source(%dma_start3A_21 : memref<1000000x128xf32, #tpu.memory_space<hbm>>) target(%dma_start3A_16 : memref<384x128xf32, #tpu.memory_space<vmem>>) offsets(%dma_start3A_18 : memref<384xi32, #tpu.memory_space<vmem>>) semaphore(%arg8 : memref<!tpu.dma_semaphore, #tpu.memory_space<semaphore_mem>>)
    %dma_wait3A = arith.constant 0 : i32
    %dma_wait3A_22 = arith.constant 0 : i32
    %dma_wait3A_23 = arith.constant 0 : i32
    %dma_wait3A_24 = tpu.memref_slice %arg6[%dma_wait3A, %dma_wait3A_22, %dma_wait3A_23] : memref<2x384x128xf32, #tpu.memory_space<vmem>> -> memref<1x384x128xf32, #tpu.memory_space<vmem>>
    %dma_wait3A_25 = tpu.memref_squeeze %dma_wait3A_24 : memref<1x384x128xf32, #tpu.memory_space<vmem>> -> memref<384x128xf32, #tpu.memory_space<vmem>>
    %dma_wait3A_26 = arith.constant 0 : i32
    %dma_wait3A_27 = tpu.memref_slice %arg5[%dma_wait3A_26] : memref<1152xi32, #tpu.memory_space<vmem>> -> memref<384xi32, #tpu.memory_space<vmem>>
    %dma_wait3A_28 = arith.constant 0 : i32
    %dma_wait3A_29 = arith.constant 0 : i32
    %dma_wait3A_30 = tpu.memref_slice %arg3[%dma_wait3A_28, %dma_wait3A_29] : memref<1000000x128xf32, #tpu.memory_space<hbm>> -> memref<1000000x128xf32, #tpu.memory_space<hbm>>
    tpu.wait_indirect_dma semaphore(%arg7 : memref<!tpu.dma_semaphore, #tpu.memory_space<semaphore_mem>>) src(%dma_wait3A_30 : memref<1000000x128xf32, #tpu.memory_space<hbm>>) dst(%dma_wait3A_25 : memref<384x128xf32, #tpu.memory_space<vmem>>)
    %add3A_31 = arith.constant 0 : i32
    %add3A_32 = arith.addi %mul3A_2, %add3A_31 : i32
    %run_scoped3A = arith.constant 0 : i32
    "tpu.region"() ({
      %run_scoped3A_69 = tpu.sem_alloc : memref<!tpu.dma_semaphore, #tpu.memory_space<semaphore_mem>>
      %dma_start3A_70 = arith.constant 0 : i32
      %dma_start3A_71 = arith.constant 0 : i32
      %dma_start3A_72 = tpu.memref_slice %arg6[%run_scoped3A, %dma_start3A_70, %dma_start3A_71] : memref<2x384x128xf32, #tpu.memory_space<vmem>> -> memref<1x384x128xf32, #tpu.memory_space<vmem>>
      %dma_start3A_73 = tpu.memref_squeeze %dma_start3A_72 : memref<1x384x128xf32, #tpu.memory_space<vmem>> -> memref<384x128xf32, #tpu.memory_space<vmem>>
      %dma_start3A_74 = arith.constant 0 : i32
      %dma_start3A_75 = tpu.memref_slice %arg4[%add3A_32, %dma_start3A_74] : memref<36864x128xf32, #tpu.memory_space<hbm>> -> memref<384x128xf32, #tpu.memory_space<hbm>>
      %dma_start3A_76 = arith.constant 0 : i32
      %dma_start3A_77 = tpu.memref_slice %arg4[%add3A_32, %dma_start3A_76] : memref<36864x128xf32, #tpu.memory_space<hbm>> -> memref<384x128xf32, #tpu.memory_space<hbm>>
      %dma_start3A_78 = arith.constant 0 : i32
      %dma_start3A_79 = arith.constant 0 : i32
      %dma_start3A_80 = tpu.memref_slice %arg6[%run_scoped3A, %dma_start3A_78, %dma_start3A_79] : memref<2x384x128xf32, #tpu.memory_space<vmem>> -> memref<1x384x128xf32, #tpu.memory_space<vmem>>
      %dma_start3A_81 = tpu.memref_squeeze %dma_start3A_80 : memref<1x384x128xf32, #tpu.memory_space<vmem>> -> memref<384x128xf32, #tpu.memory_space<vmem>>
      tpu.enqueue_dma source(%dma_start3A_81 : memref<384x128xf32, #tpu.memory_space<vmem>>) target(%dma_start3A_77 : memref<384x128xf32, #tpu.memory_space<hbm>>) target_semaphore(%run_scoped3A_69 : memref<!tpu.dma_semaphore, #tpu.memory_space<semaphore_mem>>)
      %dma_wait3A_82 = arith.constant 0 : i32
      %dma_wait3A_83 = arith.constant 0 : i32
      %dma_wait3A_84 = tpu.memref_slice %arg6[%run_scoped3A, %dma_wait3A_82, %dma_wait3A_83] : memref<2x384x128xf32, #tpu.memory_space<vmem>> -> memref<1x384x128xf32, #tpu.memory_space<vmem>>
      %dma_wait3A_85 = tpu.memref_squeeze %dma_wait3A_84 : memref<1x384x128xf32, #tpu.memory_space<vmem>> -> memref<384x128xf32, #tpu.memory_space<vmem>>
      %dma_wait3A_86 = arith.constant 0 : i32
      %dma_wait3A_87 = tpu.memref_slice %arg4[%add3A_32, %dma_wait3A_86] : memref<36864x128xf32, #tpu.memory_space<hbm>> -> memref<384x128xf32, #tpu.memory_space<hbm>>
      %dma_wait3A_88 = arith.constant 0 : i32
      %dma_wait3A_89 = tpu.memref_slice %arg4[%add3A_32, %dma_wait3A_88] : memref<36864x128xf32, #tpu.memory_space<hbm>> -> memref<384x128xf32, #tpu.memory_space<hbm>>
      %dma_wait3A_90 = arith.constant 0 : i32
      %dma_wait3A_91 = arith.constant 0 : i32
      %dma_wait3A_92 = tpu.memref_slice %arg6[%run_scoped3A, %dma_wait3A_90, %dma_wait3A_91] : memref<2x384x128xf32, #tpu.memory_space<vmem>> -> memref<1x384x128xf32, #tpu.memory_space<vmem>>
      %dma_wait3A_93 = tpu.memref_squeeze %dma_wait3A_92 : memref<1x384x128xf32, #tpu.memory_space<vmem>> -> memref<384x128xf32, #tpu.memory_space<vmem>>
      tpu.wait_dma2 semaphore(%run_scoped3A_69 : memref<!tpu.dma_semaphore, #tpu.memory_space<semaphore_mem>>) src(%dma_wait3A_93 : memref<384x128xf32, #tpu.memory_space<vmem>>) dst(%dma_wait3A_89 : memref<384x128xf32, #tpu.memory_space<hbm>>)
      tpu.yield
    }) : () -> ()
    %dma_start3A_33 = arith.constant 0 : i32
    %dma_start3A_34 = arith.constant 0 : i32
    %dma_start3A_35 = arith.constant 0 : i32
    %dma_start3A_36 = tpu.memref_slice %arg6[%dma_start3A_33, %dma_start3A_34, %dma_start3A_35] : memref<2x384x128xf32, #tpu.memory_space<vmem>> -> memref<1x384x128xf32, #tpu.memory_space<vmem>>
    %dma_start3A_37 = tpu.memref_squeeze %dma_start3A_36 : memref<1x384x128xf32, #tpu.memory_space<vmem>> -> memref<384x128xf32, #tpu.memory_space<vmem>>
    %dma_start3A_38 = arith.constant 768 : i32
    %dma_start3A_39 = tpu.memref_slice %arg5[%dma_start3A_38] : memref<1152xi32, #tpu.memory_space<vmem>> -> memref<384xi32, #tpu.memory_space<vmem>>
    %dma_start3A_40 = arith.constant 0 : i32
    %dma_start3A_41 = arith.constant 0 : i32
    %dma_start3A_42 = tpu.memref_slice %arg3[%dma_start3A_40, %dma_start3A_41] : memref<1000000x128xf32, #tpu.memory_space<hbm>> -> memref<1000000x128xf32, #tpu.memory_space<hbm>>
    tpu.enqueue_indirect_dma source(%dma_start3A_42 : memref<1000000x128xf32, #tpu.memory_space<hbm>>) target(%dma_start3A_37 : memref<384x128xf32, #tpu.memory_space<vmem>>) offsets(%dma_start3A_39 : memref<384xi32, #tpu.memory_space<vmem>>) semaphore(%arg7 : memref<!tpu.dma_semaphore, #tpu.memory_space<semaphore_mem>>)
    %dma_wait3A_43 = arith.constant 1 : i32
    %dma_wait3A_44 = arith.constant 0 : i32
    %dma_wait3A_45 = arith.constant 0 : i32
    %dma_wait3A_46 = tpu.memref_slice %arg6[%dma_wait3A_43, %dma_wait3A_44, %dma_wait3A_45] : memref<2x384x128xf32, #tpu.memory_space<vmem>> -> memref<1x384x128xf32, #tpu.memory_space<vmem>>
    %dma_wait3A_47 = tpu.memref_squeeze %dma_wait3A_46 : memref<1x384x128xf32, #tpu.memory_space<vmem>> -> memref<384x128xf32, #tpu.memory_space<vmem>>
    %dma_wait3A_48 = arith.constant 384 : i32
    %dma_wait3A_49 = tpu.memref_slice %arg5[%dma_wait3A_48] : memref<1152xi32, #tpu.memory_space<vmem>> -> memref<384xi32, #tpu.memory_space<vmem>>
    %dma_wait3A_50 = arith.constant 0 : i32
    %dma_wait3A_51 = arith.constant 0 : i32
    %dma_wait3A_52 = tpu.memref_slice %arg3[%dma_wait3A_50, %dma_wait3A_51] : memref<1000000x128xf32, #tpu.memory_space<hbm>> -> memref<1000000x128xf32, #tpu.memory_space<hbm>>
    tpu.wait_indirect_dma semaphore(%arg8 : memref<!tpu.dma_semaphore, #tpu.memory_space<semaphore_mem>>) src(%dma_wait3A_52 : memref<1000000x128xf32, #tpu.memory_space<hbm>>) dst(%dma_wait3A_47 : memref<384x128xf32, #tpu.memory_space<vmem>>)
    %add3A_53 = arith.constant 384 : i32
    %add3A_54 = arith.addi %mul3A_2, %add3A_53 : i32
    %run_scoped3A_55 = arith.constant 1 : i32
    "tpu.region"() ({
      %run_scoped3A_69 = tpu.sem_alloc : memref<!tpu.dma_semaphore, #tpu.memory_space<semaphore_mem>>
      %dma_start3A_70 = arith.constant 0 : i32
      %dma_start3A_71 = arith.constant 0 : i32
      %dma_start3A_72 = tpu.memref_slice %arg6[%run_scoped3A_55, %dma_start3A_70, %dma_start3A_71] : memref<2x384x128xf32, #tpu.memory_space<vmem>> -> memref<1x384x128xf32, #tpu.memory_space<vmem>>
      %dma_start3A_73 = tpu.memref_squeeze %dma_start3A_72 : memref<1x384x128xf32, #tpu.memory_space<vmem>> -> memref<384x128xf32, #tpu.memory_space<vmem>>
      %dma_start3A_74 = arith.constant 0 : i32
      %dma_start3A_75 = tpu.memref_slice %arg4[%add3A_54, %dma_start3A_74] : memref<36864x128xf32, #tpu.memory_space<hbm>> -> memref<384x128xf32, #tpu.memory_space<hbm>>
      %dma_start3A_76 = arith.constant 0 : i32
      %dma_start3A_77 = tpu.memref_slice %arg4[%add3A_54, %dma_start3A_76] : memref<36864x128xf32, #tpu.memory_space<hbm>> -> memref<384x128xf32, #tpu.memory_space<hbm>>
      %dma_start3A_78 = arith.constant 0 : i32
      %dma_start3A_79 = arith.constant 0 : i32
      %dma_start3A_80 = tpu.memref_slice %arg6[%run_scoped3A_55, %dma_start3A_78, %dma_start3A_79] : memref<2x384x128xf32, #tpu.memory_space<vmem>> -> memref<1x384x128xf32, #tpu.memory_space<vmem>>
      %dma_start3A_81 = tpu.memref_squeeze %dma_start3A_80 : memref<1x384x128xf32, #tpu.memory_space<vmem>> -> memref<384x128xf32, #tpu.memory_space<vmem>>
      tpu.enqueue_dma source(%dma_start3A_81 : memref<384x128xf32, #tpu.memory_space<vmem>>) target(%dma_start3A_77 : memref<384x128xf32, #tpu.memory_space<hbm>>) target_semaphore(%run_scoped3A_69 : memref<!tpu.dma_semaphore, #tpu.memory_space<semaphore_mem>>)
      %dma_wait3A_82 = arith.constant 0 : i32
      %dma_wait3A_83 = arith.constant 0 : i32
      %dma_wait3A_84 = tpu.memref_slice %arg6[%run_scoped3A_55, %dma_wait3A_82, %dma_wait3A_83] : memref<2x384x128xf32, #tpu.memory_space<vmem>> -> memref<1x384x128xf32, #tpu.memory_space<vmem>>
      %dma_wait3A_85 = tpu.memref_squeeze %dma_wait3A_84 : memref<1x384x128xf32, #tpu.memory_space<vmem>> -> memref<384x128xf32, #tpu.memory_space<vmem>>
      %dma_wait3A_86 = arith.constant 0 : i32
      %dma_wait3A_87 = tpu.memref_slice %arg4[%add3A_54, %dma_wait3A_86] : memref<36864x128xf32, #tpu.memory_space<hbm>> -> memref<384x128xf32, #tpu.memory_space<hbm>>
      %dma_wait3A_88 = arith.constant 0 : i32
      %dma_wait3A_89 = tpu.memref_slice %arg4[%add3A_54, %dma_wait3A_88] : memref<36864x128xf32, #tpu.memory_space<hbm>> -> memref<384x128xf32, #tpu.memory_space<hbm>>
      %dma_wait3A_90 = arith.constant 0 : i32
      %dma_wait3A_91 = arith.constant 0 : i32
      %dma_wait3A_92 = tpu.memref_slice %arg6[%run_scoped3A_55, %dma_wait3A_90, %dma_wait3A_91] : memref<2x384x128xf32, #tpu.memory_space<vmem>> -> memref<1x384x128xf32, #tpu.memory_space<vmem>>
      %dma_wait3A_93 = tpu.memref_squeeze %dma_wait3A_92 : memref<1x384x128xf32, #tpu.memory_space<vmem>> -> memref<384x128xf32, #tpu.memory_space<vmem>>
      tpu.wait_dma2 semaphore(%run_scoped3A_69 : memref<!tpu.dma_semaphore, #tpu.memory_space<semaphore_mem>>) src(%dma_wait3A_93 : memref<384x128xf32, #tpu.memory_space<vmem>>) dst(%dma_wait3A_89 : memref<384x128xf32, #tpu.memory_space<hbm>>)
      tpu.yield
    }) : () -> ()
    %dma_wait3A_56 = arith.constant 0 : i32
    %dma_wait3A_57 = arith.constant 0 : i32
    %dma_wait3A_58 = arith.constant 0 : i32
    %dma_wait3A_59 = tpu.memref_slice %arg6[%dma_wait3A_56, %dma_wait3A_57, %dma_wait3A_58] : memref<2x384x128xf32, #tpu.memory_space<vmem>> -> memref<1x384x128xf32, #tpu.memory_space<vmem>>
    %dma_wait3A_60 = tpu.memref_squeeze %dma_wait3A_59 : memref<1x384x128xf32, #tpu.memory_space<vmem>> -> memref<384x128xf32, #tpu.memory_space<vmem>>
    %dma_wait3A_61 = arith.constant 768 : i32
    %dma_wait3A_62 = tpu.memref_slice %arg5[%dma_wait3A_61] : memref<1152xi32, #tpu.memory_space<vmem>> -> memref<384xi32, #tpu.memory_space<vmem>>
    %dma_wait3A_63 = arith.constant 0 : i32
    %dma_wait3A_64 = arith.constant 0 : i32
    %dma_wait3A_65 = tpu.memref_slice %arg3[%dma_wait3A_63, %dma_wait3A_64] : memref<1000000x128xf32, #tpu.memory_space<hbm>> -> memref<1000000x128xf32, #tpu.memory_space<hbm>>
    tpu.wait_indirect_dma semaphore(%arg7 : memref<!tpu.dma_semaphore, #tpu.memory_space<semaphore_mem>>) src(%dma_wait3A_65 : memref<1000000x128xf32, #tpu.memory_space<hbm>>) dst(%dma_wait3A_60 : memref<384x128xf32, #tpu.memory_space<vmem>>)
    %add3A_66 = arith.constant 768 : i32
    %add3A_67 = arith.addi %mul3A_2, %add3A_66 : i32
    %run_scoped3A_68 = arith.constant 0 : i32
    "tpu.region"() ({
      %run_scoped3A_69 = tpu.sem_alloc : memref<!tpu.dma_semaphore, #tpu.memory_space<semaphore_mem>>
      %dma_start3A_70 = arith.constant 0 : i32
      %dma_start3A_71 = arith.constant 0 : i32
      %dma_start3A_72 = tpu.memref_slice %arg6[%run_scoped3A_68, %dma_start3A_70, %dma_start3A_71] : memref<2x384x128xf32, #tpu.memory_space<vmem>> -> memref<1x384x128xf32, #tpu.memory_space<vmem>>
      %dma_start3A_73 = tpu.memref_squeeze %dma_start3A_72 : memref<1x384x128xf32, #tpu.memory_space<vmem>> -> memref<384x128xf32, #tpu.memory_space<vmem>>
      %dma_start3A_74 = arith.constant 0 : i32
      %dma_start3A_75 = tpu.memref_slice %arg4[%add3A_67, %dma_start3A_74] : memref<36864x128xf32, #tpu.memory_space<hbm>> -> memref<384x128xf32, #tpu.memory_space<hbm>>
      %dma_start3A_76 = arith.constant 0 : i32
      %dma_start3A_77 = tpu.memref_slice %arg4[%add3A_67, %dma_start3A_76] : memref<36864x128xf32, #tpu.memory_space<hbm>> -> memref<384x128xf32, #tpu.memory_space<hbm>>
      %dma_start3A_78 = arith.constant 0 : i32
      %dma_start3A_79 = arith.constant 0 : i32
      %dma_start3A_80 = tpu.memref_slice %arg6[%run_scoped3A_68, %dma_start3A_78, %dma_start3A_79] : memref<2x384x128xf32, #tpu.memory_space<vmem>> -> memref<1x384x128xf32, #tpu.memory_space<vmem>>
      %dma_start3A_81 = tpu.memref_squeeze %dma_start3A_80 : memref<1x384x128xf32, #tpu.memory_space<vmem>> -> memref<384x128xf32, #tpu.memory_space<vmem>>
      tpu.enqueue_dma source(%dma_start3A_81 : memref<384x128xf32, #tpu.memory_space<vmem>>) target(%dma_start3A_77 : memref<384x128xf32, #tpu.memory_space<hbm>>) target_semaphore(%run_scoped3A_69 : memref<!tpu.dma_semaphore, #tpu.memory_space<semaphore_mem>>)
      %dma_wait3A_82 = arith.constant 0 : i32
      %dma_wait3A_83 = arith.constant 0 : i32
      %dma_wait3A_84 = tpu.memref_slice %arg6[%run_scoped3A_68, %dma_wait3A_82, %dma_wait3A_83] : memref<2x384x128xf32, #tpu.memory_space<vmem>> -> memref<1x384x128xf32, #tpu.memory_space<vmem>>
      %dma_wait3A_85 = tpu.memref_squeeze %dma_wait3A_84 : memref<1x384x128xf32, #tpu.memory_space<vmem>> -> memref<384x128xf32, #tpu.memory_space<vmem>>
      %dma_wait3A_86 = arith.constant 0 : i32
      %dma_wait3A_87 = tpu.memref_slice %arg4[%add3A_67, %dma_wait3A_86] : memref<36864x128xf32, #tpu.memory_space<hbm>> -> memref<384x128xf32, #tpu.memory_space<hbm>>
      %dma_wait3A_88 = arith.constant 0 : i32
      %dma_wait3A_89 = tpu.memref_slice %arg4[%add3A_67, %dma_wait3A_88] : memref<36864x128xf32, #tpu.memory_space<hbm>> -> memref<384x128xf32, #tpu.memory_space<hbm>>
      %dma_wait3A_90 = arith.constant 0 : i32
      %dma_wait3A_91 = arith.constant 0 : i32
      %dma_wait3A_92 = tpu.memref_slice %arg6[%run_scoped3A_68, %dma_wait3A_90, %dma_wait3A_91] : memref<2x384x128xf32, #tpu.memory_space<vmem>> -> memref<1x384x128xf32, #tpu.memory_space<vmem>>
      %dma_wait3A_93 = tpu.memref_squeeze %dma_wait3A_92 : memref<1x384x128xf32, #tpu.memory_space<vmem>> -> memref<384x128xf32, #tpu.memory_space<vmem>>
      tpu.wait_dma2 semaphore(%run_scoped3A_69 : memref<!tpu.dma_semaphore, #tpu.memory_space<semaphore_mem>>) src(%dma_wait3A_93 : memref<384x128xf32, #tpu.memory_space<vmem>>) dst(%dma_wait3A_89 : memref<384x128xf32, #tpu.memory_space<hbm>>)
      tpu.yield
    }) : () -> ()
    return
  }
}

#map = affine_map<(d0, d1) -> (0)>
#map1 = affine_map<(d0, d1) -> (0, 0)>
module attributes {stable_mosaic.version = 14 : i64} {
  func.func @_sc_gather(%arg0: i32, %arg1: i32, %arg2: memref<12288xi32, #tpu.memory_space<hbm>>, %arg3: memref<1000000x128xf32, #tpu.memory_space<hbm>>, %arg4: memref<12288x128xf32, #tpu.memory_space<hbm>>, %arg5: memref<384xi32, #tpu.memory_space<vmem>>, %arg6: memref<2x384x128xf32, #tpu.memory_space<vmem>>, %arg7: memref<!tpu.dma_semaphore, #tpu.memory_space<semaphore_mem>>, %arg8: memref<!tpu.dma_semaphore, #tpu.memory_space<semaphore_mem>>) attributes {dimension_semantics = [#tpu.dimension_semantics<core_parallel>, #tpu.dimension_semantics<subcore_parallel>], iteration_bounds = array<i64: 2, 16>, scalar_prefetch = 0 : i64, scratch_operands = 4 : i64, tpu.core_type = #tpu.core_type<sc_vector_subcore>, window_params = [{transform_indices = #map}, {transform_indices = #map1}, {transform_indices = #map1}]} {
    %mul3A = arith.constant 2 : i32
    %mul3A_0 = arith.muli %arg1, %mul3A : i32
    %add3A = arith.addi %mul3A_0, %arg0 : i32
    %mul3A_1 = arith.constant 384 : i32
    %mul3A_2 = arith.muli %add3A, %mul3A_1 : i32
    "tpu.region"() ({
      %run_scoped3A_23 = tpu.sem_alloc : memref<!tpu.dma_semaphore, #tpu.memory_space<semaphore_mem>>
      %dma_start3A_24 = tpu.memref_slice %arg2[%mul3A_2] : memref<12288xi32, #tpu.memory_space<hbm>> -> memref<384xi32, #tpu.memory_space<hbm>>
      %dma_start3A_25 = tpu.memref_slice %arg2[%mul3A_2] : memref<12288xi32, #tpu.memory_space<hbm>> -> memref<384xi32, #tpu.memory_space<hbm>>
      tpu.enqueue_dma source(%dma_start3A_25 : memref<384xi32, #tpu.memory_space<hbm>>) target(%arg5 : memref<384xi32, #tpu.memory_space<vmem>>) target_semaphore(%run_scoped3A_23 : memref<!tpu.dma_semaphore, #tpu.memory_space<semaphore_mem>>)
      %dma_wait3A_26 = tpu.memref_slice %arg2[%mul3A_2] : memref<12288xi32, #tpu.memory_space<hbm>> -> memref<384xi32, #tpu.memory_space<hbm>>
      %dma_wait3A_27 = tpu.memref_slice %arg2[%mul3A_2] : memref<12288xi32, #tpu.memory_space<hbm>> -> memref<384xi32, #tpu.memory_space<hbm>>
      tpu.wait_dma2 semaphore(%run_scoped3A_23 : memref<!tpu.dma_semaphore, #tpu.memory_space<semaphore_mem>>) src(%dma_wait3A_27 : memref<384xi32, #tpu.memory_space<hbm>>) dst(%arg5 : memref<384xi32, #tpu.memory_space<vmem>>)
      tpu.yield
    }) : () -> ()
    %dma_start3A = arith.constant 0 : i32
    %dma_start3A_3 = arith.constant 0 : i32
    %dma_start3A_4 = arith.constant 0 : i32
    %dma_start3A_5 = tpu.memref_slice %arg6[%dma_start3A, %dma_start3A_3, %dma_start3A_4] : memref<2x384x128xf32, #tpu.memory_space<vmem>> -> memref<1x384x128xf32, #tpu.memory_space<vmem>>
    %dma_start3A_6 = tpu.memref_squeeze %dma_start3A_5 : memref<1x384x128xf32, #tpu.memory_space<vmem>> -> memref<384x128xf32, #tpu.memory_space<vmem>>
    %dma_start3A_7 = arith.constant 0 : i32
    %dma_start3A_8 = tpu.memref_slice %arg5[%dma_start3A_7] : memref<384xi32, #tpu.memory_space<vmem>> -> memref<384xi32, #tpu.memory_space<vmem>>
    %dma_start3A_9 = arith.constant 0 : i32
    %dma_start3A_10 = arith.constant 0 : i32
    %dma_start3A_11 = tpu.memref_slice %arg3[%dma_start3A_9, %dma_start3A_10] : memref<1000000x128xf32, #tpu.memory_space<hbm>> -> memref<1000000x128xf32, #tpu.memory_space<hbm>>
    tpu.enqueue_indirect_dma source(%dma_start3A_11 : memref<1000000x128xf32, #tpu.memory_space<hbm>>) target(%dma_start3A_6 : memref<384x128xf32, #tpu.memory_space<vmem>>) offsets(%dma_start3A_8 : memref<384xi32, #tpu.memory_space<vmem>>) semaphore(%arg7 : memref<!tpu.dma_semaphore, #tpu.memory_space<semaphore_mem>>)
    %dma_wait3A = arith.constant 0 : i32
    %dma_wait3A_12 = arith.constant 0 : i32
    %dma_wait3A_13 = arith.constant 0 : i32
    %dma_wait3A_14 = tpu.memref_slice %arg6[%dma_wait3A, %dma_wait3A_12, %dma_wait3A_13] : memref<2x384x128xf32, #tpu.memory_space<vmem>> -> memref<1x384x128xf32, #tpu.memory_space<vmem>>
    %dma_wait3A_15 = tpu.memref_squeeze %dma_wait3A_14 : memref<1x384x128xf32, #tpu.memory_space<vmem>> -> memref<384x128xf32, #tpu.memory_space<vmem>>
    %dma_wait3A_16 = arith.constant 0 : i32
    %dma_wait3A_17 = tpu.memref_slice %arg5[%dma_wait3A_16] : memref<384xi32, #tpu.memory_space<vmem>> -> memref<384xi32, #tpu.memory_space<vmem>>
    %dma_wait3A_18 = arith.constant 0 : i32
    %dma_wait3A_19 = arith.constant 0 : i32
    %dma_wait3A_20 = tpu.memref_slice %arg3[%dma_wait3A_18, %dma_wait3A_19] : memref<1000000x128xf32, #tpu.memory_space<hbm>> -> memref<1000000x128xf32, #tpu.memory_space<hbm>>
    tpu.wait_indirect_dma semaphore(%arg7 : memref<!tpu.dma_semaphore, #tpu.memory_space<semaphore_mem>>) src(%dma_wait3A_20 : memref<1000000x128xf32, #tpu.memory_space<hbm>>) dst(%dma_wait3A_15 : memref<384x128xf32, #tpu.memory_space<vmem>>)
    %add3A_21 = arith.constant 0 : i32
    %add3A_22 = arith.addi %mul3A_2, %add3A_21 : i32
    %run_scoped3A = arith.constant 0 : i32
    "tpu.region"() ({
      %run_scoped3A_23 = tpu.sem_alloc : memref<!tpu.dma_semaphore, #tpu.memory_space<semaphore_mem>>
      %dma_start3A_24 = arith.constant 0 : i32
      %dma_start3A_25 = arith.constant 0 : i32
      %dma_start3A_26 = tpu.memref_slice %arg6[%run_scoped3A, %dma_start3A_24, %dma_start3A_25] : memref<2x384x128xf32, #tpu.memory_space<vmem>> -> memref<1x384x128xf32, #tpu.memory_space<vmem>>
      %dma_start3A_27 = tpu.memref_squeeze %dma_start3A_26 : memref<1x384x128xf32, #tpu.memory_space<vmem>> -> memref<384x128xf32, #tpu.memory_space<vmem>>
      %dma_start3A_28 = arith.constant 0 : i32
      %dma_start3A_29 = tpu.memref_slice %arg4[%add3A_22, %dma_start3A_28] : memref<12288x128xf32, #tpu.memory_space<hbm>> -> memref<384x128xf32, #tpu.memory_space<hbm>>
      %dma_start3A_30 = arith.constant 0 : i32
      %dma_start3A_31 = tpu.memref_slice %arg4[%add3A_22, %dma_start3A_30] : memref<12288x128xf32, #tpu.memory_space<hbm>> -> memref<384x128xf32, #tpu.memory_space<hbm>>
      %dma_start3A_32 = arith.constant 0 : i32
      %dma_start3A_33 = arith.constant 0 : i32
      %dma_start3A_34 = tpu.memref_slice %arg6[%run_scoped3A, %dma_start3A_32, %dma_start3A_33] : memref<2x384x128xf32, #tpu.memory_space<vmem>> -> memref<1x384x128xf32, #tpu.memory_space<vmem>>
      %dma_start3A_35 = tpu.memref_squeeze %dma_start3A_34 : memref<1x384x128xf32, #tpu.memory_space<vmem>> -> memref<384x128xf32, #tpu.memory_space<vmem>>
      tpu.enqueue_dma source(%dma_start3A_35 : memref<384x128xf32, #tpu.memory_space<vmem>>) target(%dma_start3A_31 : memref<384x128xf32, #tpu.memory_space<hbm>>) target_semaphore(%run_scoped3A_23 : memref<!tpu.dma_semaphore, #tpu.memory_space<semaphore_mem>>)
      %dma_wait3A_36 = arith.constant 0 : i32
      %dma_wait3A_37 = arith.constant 0 : i32
      %dma_wait3A_38 = tpu.memref_slice %arg6[%run_scoped3A, %dma_wait3A_36, %dma_wait3A_37] : memref<2x384x128xf32, #tpu.memory_space<vmem>> -> memref<1x384x128xf32, #tpu.memory_space<vmem>>
      %dma_wait3A_39 = tpu.memref_squeeze %dma_wait3A_38 : memref<1x384x128xf32, #tpu.memory_space<vmem>> -> memref<384x128xf32, #tpu.memory_space<vmem>>
      %dma_wait3A_40 = arith.constant 0 : i32
      %dma_wait3A_41 = tpu.memref_slice %arg4[%add3A_22, %dma_wait3A_40] : memref<12288x128xf32, #tpu.memory_space<hbm>> -> memref<384x128xf32, #tpu.memory_space<hbm>>
      %dma_wait3A_42 = arith.constant 0 : i32
      %dma_wait3A_43 = tpu.memref_slice %arg4[%add3A_22, %dma_wait3A_42] : memref<12288x128xf32, #tpu.memory_space<hbm>> -> memref<384x128xf32, #tpu.memory_space<hbm>>
      %dma_wait3A_44 = arith.constant 0 : i32
      %dma_wait3A_45 = arith.constant 0 : i32
      %dma_wait3A_46 = tpu.memref_slice %arg6[%run_scoped3A, %dma_wait3A_44, %dma_wait3A_45] : memref<2x384x128xf32, #tpu.memory_space<vmem>> -> memref<1x384x128xf32, #tpu.memory_space<vmem>>
      %dma_wait3A_47 = tpu.memref_squeeze %dma_wait3A_46 : memref<1x384x128xf32, #tpu.memory_space<vmem>> -> memref<384x128xf32, #tpu.memory_space<vmem>>
      tpu.wait_dma2 semaphore(%run_scoped3A_23 : memref<!tpu.dma_semaphore, #tpu.memory_space<semaphore_mem>>) src(%dma_wait3A_47 : memref<384x128xf32, #tpu.memory_space<vmem>>) dst(%dma_wait3A_43 : memref<384x128xf32, #tpu.memory_space<hbm>>)
      tpu.yield
    }) : () -> ()
    return
  }
}

module attributes {stable_mosaic.version = 14 : i64} {
  func.func @_mlp_body_chain(%arg0: i32, %arg1: memref<6x1024x128xf32, #tpu.memory_space<vmem>>, %arg2: memref<6x128x128xf32, #tpu.memory_space<vmem>>, %arg3: memref<1x128xf32, #tpu.memory_space<vmem>>, %arg4: memref<128x91xf32, #tpu.memory_space<vmem>>, %arg5: memref<1x91xf32, #tpu.memory_space<vmem>>, %arg6: memref<16384x91xf32, #tpu.memory_space<any>>, %arg7: memref<1024x91xf32, #tpu.memory_space<vmem>>) attributes {dimension_semantics = [#tpu.dimension_semantics<arbitrary>], iteration_bounds = array<i64: 2>, scalar_prefetch = 0 : i64, scratch_operands = 0 : i64, tpu.core_type = #tpu.core_type<tc>, window_params = [{transform_indices = @transform_0, window_bounds = array<i64: 6, 1024, 128>}, {pipeline_mode = #tpu.pipeline_mode<synchronous>, transform_indices = @transform_1, window_bounds = array<i64: 6, 128, 128>}, {pipeline_mode = #tpu.pipeline_mode<synchronous>, transform_indices = @transform_2, window_bounds = array<i64: 1, 128>}, {pipeline_mode = #tpu.pipeline_mode<synchronous>, transform_indices = @transform_3, window_bounds = array<i64: 128, 91>}, {pipeline_mode = #tpu.pipeline_mode<synchronous>, transform_indices = @transform_4, window_bounds = array<i64: 1, 91>}, {}, {transform_indices = @transform_6, window_bounds = array<i64: 1024, 91>}]} {
    %get3A = arith.constant 0 : index
    %get3A_0 = arith.constant 0 : index
    %get3A_1 = arith.constant 0 : index
    %get3A_2 = vector.load %arg1[%get3A, %get3A_0, %get3A_1] : memref<6x1024x128xf32, #tpu.memory_space<vmem>>, vector<1x1024x128xf32>
    %get3A_3 = vector.shape_cast %get3A_2 : vector<1x1024x128xf32> to vector<1024x128xf32>
    %get3A_4 = arith.constant 0 : index
    %get3A_5 = arith.constant 0 : index
    %get3A_6 = arith.constant 0 : index
    %get3A_7 = vector.load %arg2[%get3A_4, %get3A_5, %get3A_6] : memref<6x128x128xf32, #tpu.memory_space<vmem>>, vector<1x128x128xf32>
    %get3A_8 = vector.shape_cast %get3A_7 : vector<1x128x128xf32> to vector<128x128xf32>
    %dot_general3A = arith.constant dense<0.000000e+00> : vector<1024x128xf32>
    %dot_general3A_9 = tpu.matmul %get3A_3, %get3A_8, %dot_general3A {dimension_numbers = #tpu.dot_dimension_numbers<[1], [0], [0], [1], [0, 0, 1, 1], [], []>, transpose_lhs_hint = false} : vector<1024x128xf32>, vector<128x128xf32>, vector<1024x128xf32> -> vector<1024x128xf32>
    %get3A_10 = arith.constant 1 : index
    %get3A_11 = arith.constant 0 : index
    %get3A_12 = arith.constant 0 : index
    %get3A_13 = vector.load %arg1[%get3A_10, %get3A_11, %get3A_12] : memref<6x1024x128xf32, #tpu.memory_space<vmem>>, vector<1x1024x128xf32>
    %get3A_14 = vector.shape_cast %get3A_13 : vector<1x1024x128xf32> to vector<1024x128xf32>
    %get3A_15 = arith.constant 1 : index
    %get3A_16 = arith.constant 0 : index
    %get3A_17 = arith.constant 0 : index
    %get3A_18 = vector.load %arg2[%get3A_15, %get3A_16, %get3A_17] : memref<6x128x128xf32, #tpu.memory_space<vmem>>, vector<1x128x128xf32>
    %get3A_19 = vector.shape_cast %get3A_18 : vector<1x128x128xf32> to vector<128x128xf32>
    %dot_general3A_20 = arith.constant dense<0.000000e+00> : vector<1024x128xf32>
    %dot_general3A_21 = tpu.matmul %get3A_14, %get3A_19, %dot_general3A_20 {dimension_numbers = #tpu.dot_dimension_numbers<[1], [0], [0], [1], [0, 0, 1, 1], [], []>, transpose_lhs_hint = false} : vector<1024x128xf32>, vector<128x128xf32>, vector<1024x128xf32> -> vector<1024x128xf32>
    %add3A = arith.addf %dot_general3A_9, %dot_general3A_21 : vector<1024x128xf32>
    %get3A_22 = arith.constant 2 : index
    %get3A_23 = arith.constant 0 : index
    %get3A_24 = arith.constant 0 : index
    %get3A_25 = vector.load %arg1[%get3A_22, %get3A_23, %get3A_24] : memref<6x1024x128xf32, #tpu.memory_space<vmem>>, vector<1x1024x128xf32>
    %get3A_26 = vector.shape_cast %get3A_25 : vector<1x1024x128xf32> to vector<1024x128xf32>
    %get3A_27 = arith.constant 2 : index
    %get3A_28 = arith.constant 0 : index
    %get3A_29 = arith.constant 0 : index
    %get3A_30 = vector.load %arg2[%get3A_27, %get3A_28, %get3A_29] : memref<6x128x128xf32, #tpu.memory_space<vmem>>, vector<1x128x128xf32>
    %get3A_31 = vector.shape_cast %get3A_30 : vector<1x128x128xf32> to vector<128x128xf32>
    %dot_general3A_32 = arith.constant dense<0.000000e+00> : vector<1024x128xf32>
    %dot_general3A_33 = tpu.matmul %get3A_26, %get3A_31, %dot_general3A_32 {dimension_numbers = #tpu.dot_dimension_numbers<[1], [0], [0], [1], [0, 0, 1, 1], [], []>, transpose_lhs_hint = false} : vector<1024x128xf32>, vector<128x128xf32>, vector<1024x128xf32> -> vector<1024x128xf32>
    %add3A_34 = arith.addf %add3A, %dot_general3A_33 : vector<1024x128xf32>
    %get3A_35 = arith.constant 3 : index
    %get3A_36 = arith.constant 0 : index
    %get3A_37 = arith.constant 0 : index
    %get3A_38 = vector.load %arg1[%get3A_35, %get3A_36, %get3A_37] : memref<6x1024x128xf32, #tpu.memory_space<vmem>>, vector<1x1024x128xf32>
    %get3A_39 = vector.shape_cast %get3A_38 : vector<1x1024x128xf32> to vector<1024x128xf32>
    %get3A_40 = arith.constant 3 : index
    %get3A_41 = arith.constant 0 : index
    %get3A_42 = arith.constant 0 : index
    %get3A_43 = vector.load %arg2[%get3A_40, %get3A_41, %get3A_42] : memref<6x128x128xf32, #tpu.memory_space<vmem>>, vector<1x128x128xf32>
    %get3A_44 = vector.shape_cast %get3A_43 : vector<1x128x128xf32> to vector<128x128xf32>
    %dot_general3A_45 = arith.constant dense<0.000000e+00> : vector<1024x128xf32>
    %dot_general3A_46 = tpu.matmul %get3A_39, %get3A_44, %dot_general3A_45 {dimension_numbers = #tpu.dot_dimension_numbers<[1], [0], [0], [1], [0, 0, 1, 1], [], []>, transpose_lhs_hint = false} : vector<1024x128xf32>, vector<128x128xf32>, vector<1024x128xf32> -> vector<1024x128xf32>
    %add3A_47 = arith.addf %add3A_34, %dot_general3A_46 : vector<1024x128xf32>
    %get3A_48 = arith.constant 4 : index
    %get3A_49 = arith.constant 0 : index
    %get3A_50 = arith.constant 0 : index
    %get3A_51 = vector.load %arg1[%get3A_48, %get3A_49, %get3A_50] : memref<6x1024x128xf32, #tpu.memory_space<vmem>>, vector<1x1024x128xf32>
    %get3A_52 = vector.shape_cast %get3A_51 : vector<1x1024x128xf32> to vector<1024x128xf32>
    %get3A_53 = arith.constant 4 : index
    %get3A_54 = arith.constant 0 : index
    %get3A_55 = arith.constant 0 : index
    %get3A_56 = vector.load %arg2[%get3A_53, %get3A_54, %get3A_55] : memref<6x128x128xf32, #tpu.memory_space<vmem>>, vector<1x128x128xf32>
    %get3A_57 = vector.shape_cast %get3A_56 : vector<1x128x128xf32> to vector<128x128xf32>
    %dot_general3A_58 = arith.constant dense<0.000000e+00> : vector<1024x128xf32>
    %dot_general3A_59 = tpu.matmul %get3A_52, %get3A_57, %dot_general3A_58 {dimension_numbers = #tpu.dot_dimension_numbers<[1], [0], [0], [1], [0, 0, 1, 1], [], []>, transpose_lhs_hint = false} : vector<1024x128xf32>, vector<128x128xf32>, vector<1024x128xf32> -> vector<1024x128xf32>
    %add3A_60 = arith.addf %add3A_47, %dot_general3A_59 : vector<1024x128xf32>
    %get3A_61 = arith.constant 5 : index
    %get3A_62 = arith.constant 0 : index
    %get3A_63 = arith.constant 0 : index
    %get3A_64 = vector.load %arg1[%get3A_61, %get3A_62, %get3A_63] : memref<6x1024x128xf32, #tpu.memory_space<vmem>>, vector<1x1024x128xf32>
    %get3A_65 = vector.shape_cast %get3A_64 : vector<1x1024x128xf32> to vector<1024x128xf32>
    %get3A_66 = arith.constant 5 : index
    %get3A_67 = arith.constant 0 : index
    %get3A_68 = arith.constant 0 : index
    %get3A_69 = vector.load %arg2[%get3A_66, %get3A_67, %get3A_68] : memref<6x128x128xf32, #tpu.memory_space<vmem>>, vector<1x128x128xf32>
    %get3A_70 = vector.shape_cast %get3A_69 : vector<1x128x128xf32> to vector<128x128xf32>
    %dot_general3A_71 = arith.constant dense<0.000000e+00> : vector<1024x128xf32>
    %dot_general3A_72 = tpu.matmul %get3A_65, %get3A_70, %dot_general3A_71 {dimension_numbers = #tpu.dot_dimension_numbers<[1], [0], [0], [1], [0, 0, 1, 1], [], []>, transpose_lhs_hint = false} : vector<1024x128xf32>, vector<128x128xf32>, vector<1024x128xf32> -> vector<1024x128xf32>
    %add3A_73 = arith.addf %add3A_60, %dot_general3A_72 : vector<1024x128xf32>
    %get3A_74 = arith.constant 0 : index
    %get3A_75 = arith.constant 0 : index
    %get3A_76 = vector.load %arg3[%get3A_74, %get3A_75] : memref<1x128xf32, #tpu.memory_space<vmem>>, vector<1x128xf32>
    %add3A_77 = vector.broadcast %get3A_76 : vector<1x128xf32> to vector<1024x128xf32>
    %add3A_78 = arith.addf %add3A_73, %add3A_77 : vector<1024x128xf32>
    %max3A = arith.constant 0.000000e+00 : f32
    %max3A_79 = vector.broadcast %max3A : f32 to vector<1024x128xf32>
    %max3A_80 = arith.maximumf %add3A_78, %max3A_79 : vector<1024x128xf32>
    %get3A_81 = arith.constant 0 : index
    %get3A_82 = arith.constant 0 : index
    %get3A_83 = vector.load %arg4[%get3A_81, %get3A_82] : memref<128x91xf32, #tpu.memory_space<vmem>>, vector<128x91xf32>
    %dot_general3A_84 = arith.constant dense<0.000000e+00> : vector<1024x91xf32>
    %dot_general3A_85 = tpu.matmul %max3A_80, %get3A_83, %dot_general3A_84 {dimension_numbers = #tpu.dot_dimension_numbers<[1], [0], [0], [1], [0, 0, 1, 1], [], []>, transpose_lhs_hint = false} : vector<1024x128xf32>, vector<128x91xf32>, vector<1024x91xf32> -> vector<1024x91xf32>
    %get3A_86 = arith.constant 0 : index
    %get3A_87 = arith.constant 0 : index
    %get3A_88 = vector.load %arg5[%get3A_86, %get3A_87] : memref<1x91xf32, #tpu.memory_space<vmem>>, vector<1x91xf32>
    %add3A_89 = vector.broadcast %get3A_88 : vector<1x91xf32> to vector<1024x91xf32>
    %add3A_90 = arith.addf %dot_general3A_85, %add3A_89 : vector<1024x91xf32>
    %swap3A = arith.constant 0 : index
    %swap3A_91 = arith.constant 0 : index
    %swap3A_92 = vector.load %arg7[%swap3A, %swap3A_91] : memref<1024x91xf32, #tpu.memory_space<vmem>>, vector<1024x91xf32>
    tpu.vector_store %arg7[%swap3A, %swap3A_91], %add3A_90 {strides = array<i32>} : memref<1024x91xf32, #tpu.memory_space<vmem>>, vector<1024x91xf32>,
    return
  }
  func.func @transform_0(%arg0: i32) -> (i32, i32, i32) {
    %c0_i32 = arith.constant 0 : i32
    %c0_i32_0 = arith.constant 0 : i32
    %c0_i32_1 = arith.constant 0 : i32
    return %c0_i32, %arg0, %c0_i32_0 : i32, i32, i32
  }
  func.func @transform_1(%arg0: i32) -> (i32, i32, i32) {
    %c0_i32 = arith.constant 0 : i32
    %c0_i32_0 = arith.constant 0 : i32
    %c0_i32_1 = arith.constant 0 : i32
    %c0_i32_2 = arith.constant 0 : i32
    return %c0_i32, %c0_i32_0, %c0_i32_1 : i32, i32, i32
  }
  func.func @transform_2(%arg0: i32) -> (i32, i32) {
    %c0_i32 = arith.constant 0 : i32
    %c0_i32_0 = arith.constant 0 : i32
    %c0_i32_1 = arith.constant 0 : i32
    return %c0_i32, %c0_i32_0 : i32, i32
  }
  func.func @transform_3(%arg0: i32) -> (i32, i32) {
    %c0_i32 = arith.constant 0 : i32
    %c0_i32_0 = arith.constant 0 : i32
    %c0_i32_1 = arith.constant 0 : i32
    return %c0_i32, %c0_i32_0 : i32, i32
  }
  func.func @transform_4(%arg0: i32) -> (i32, i32) {
    %c0_i32 = arith.constant 0 : i32
    %c0_i32_0 = arith.constant 0 : i32
    %c0_i32_1 = arith.constant 0 : i32
    return %c0_i32, %c0_i32_0 : i32, i32
  }
  func.func @transform_6(%arg0: i32) -> (i32, i32) {
    %add3A = arith.constant 14 : i32
    %add3A_0 = arith.addi %arg0, %add3A : i32
    %c0_i32 = arith.constant 0 : i32
    %c0_i32_1 = arith.constant 0 : i32
    return %add3A_0, %c0_i32 : i32, i32
  }
}

module attributes {stable_mosaic.version = 14 : i64} {
  func.func @_mlp_body_chain(%arg0: i32, %arg1: memref<6x1024x128xf32, #tpu.memory_space<vmem>>, %arg2: memref<6x128x128xf32, #tpu.memory_space<vmem>>, %arg3: memref<1x128xf32, #tpu.memory_space<vmem>>, %arg4: memref<128x91xf32, #tpu.memory_space<vmem>>, %arg5: memref<1x91xf32, #tpu.memory_space<vmem>>, %arg6: memref<16384x91xf32, #tpu.memory_space<any>>, %arg7: memref<1024x91xf32, #tpu.memory_space<vmem>>) attributes {dimension_semantics = [#tpu.dimension_semantics<arbitrary>], iteration_bounds = array<i64: 6>, scalar_prefetch = 0 : i64, scratch_operands = 0 : i64, tpu.core_type = #tpu.core_type<tc>, window_params = [{transform_indices = @transform_0, window_bounds = array<i64: 6, 1024, 128>}, {pipeline_mode = #tpu.pipeline_mode<synchronous>, transform_indices = @transform_1, window_bounds = array<i64: 6, 128, 128>}, {pipeline_mode = #tpu.pipeline_mode<synchronous>, transform_indices = @transform_2, window_bounds = array<i64: 1, 128>}, {pipeline_mode = #tpu.pipeline_mode<synchronous>, transform_indices = @transform_3, window_bounds = array<i64: 128, 91>}, {pipeline_mode = #tpu.pipeline_mode<synchronous>, transform_indices = @transform_4, window_bounds = array<i64: 1, 91>}, {}, {transform_indices = @transform_6, window_bounds = array<i64: 1024, 91>}]} {
    %get3A = arith.constant 0 : index
    %get3A_0 = arith.constant 0 : index
    %get3A_1 = arith.constant 0 : index
    %get3A_2 = vector.load %arg1[%get3A, %get3A_0, %get3A_1] : memref<6x1024x128xf32, #tpu.memory_space<vmem>>, vector<1x1024x128xf32>
    %get3A_3 = vector.shape_cast %get3A_2 : vector<1x1024x128xf32> to vector<1024x128xf32>
    %get3A_4 = arith.constant 0 : index
    %get3A_5 = arith.constant 0 : index
    %get3A_6 = arith.constant 0 : index
    %get3A_7 = vector.load %arg2[%get3A_4, %get3A_5, %get3A_6] : memref<6x128x128xf32, #tpu.memory_space<vmem>>, vector<1x128x128xf32>
    %get3A_8 = vector.shape_cast %get3A_7 : vector<1x128x128xf32> to vector<128x128xf32>
    %dot_general3A = arith.constant dense<0.000000e+00> : vector<1024x128xf32>
    %dot_general3A_9 = tpu.matmul %get3A_3, %get3A_8, %dot_general3A {dimension_numbers = #tpu.dot_dimension_numbers<[1], [0], [0], [1], [0, 0, 1, 1], [], []>, transpose_lhs_hint = false} : vector<1024x128xf32>, vector<128x128xf32>, vector<1024x128xf32> -> vector<1024x128xf32>
    %get3A_10 = arith.constant 1 : index
    %get3A_11 = arith.constant 0 : index
    %get3A_12 = arith.constant 0 : index
    %get3A_13 = vector.load %arg1[%get3A_10, %get3A_11, %get3A_12] : memref<6x1024x128xf32, #tpu.memory_space<vmem>>, vector<1x1024x128xf32>
    %get3A_14 = vector.shape_cast %get3A_13 : vector<1x1024x128xf32> to vector<1024x128xf32>
    %get3A_15 = arith.constant 1 : index
    %get3A_16 = arith.constant 0 : index
    %get3A_17 = arith.constant 0 : index
    %get3A_18 = vector.load %arg2[%get3A_15, %get3A_16, %get3A_17] : memref<6x128x128xf32, #tpu.memory_space<vmem>>, vector<1x128x128xf32>
    %get3A_19 = vector.shape_cast %get3A_18 : vector<1x128x128xf32> to vector<128x128xf32>
    %dot_general3A_20 = arith.constant dense<0.000000e+00> : vector<1024x128xf32>
    %dot_general3A_21 = tpu.matmul %get3A_14, %get3A_19, %dot_general3A_20 {dimension_numbers = #tpu.dot_dimension_numbers<[1], [0], [0], [1], [0, 0, 1, 1], [], []>, transpose_lhs_hint = false} : vector<1024x128xf32>, vector<128x128xf32>, vector<1024x128xf32> -> vector<1024x128xf32>
    %add3A = arith.addf %dot_general3A_9, %dot_general3A_21 : vector<1024x128xf32>
    %get3A_22 = arith.constant 2 : index
    %get3A_23 = arith.constant 0 : index
    %get3A_24 = arith.constant 0 : index
    %get3A_25 = vector.load %arg1[%get3A_22, %get3A_23, %get3A_24] : memref<6x1024x128xf32, #tpu.memory_space<vmem>>, vector<1x1024x128xf32>
    %get3A_26 = vector.shape_cast %get3A_25 : vector<1x1024x128xf32> to vector<1024x128xf32>
    %get3A_27 = arith.constant 2 : index
    %get3A_28 = arith.constant 0 : index
    %get3A_29 = arith.constant 0 : index
    %get3A_30 = vector.load %arg2[%get3A_27, %get3A_28, %get3A_29] : memref<6x128x128xf32, #tpu.memory_space<vmem>>, vector<1x128x128xf32>
    %get3A_31 = vector.shape_cast %get3A_30 : vector<1x128x128xf32> to vector<128x128xf32>
    %dot_general3A_32 = arith.constant dense<0.000000e+00> : vector<1024x128xf32>
    %dot_general3A_33 = tpu.matmul %get3A_26, %get3A_31, %dot_general3A_32 {dimension_numbers = #tpu.dot_dimension_numbers<[1], [0], [0], [1], [0, 0, 1, 1], [], []>, transpose_lhs_hint = false} : vector<1024x128xf32>, vector<128x128xf32>, vector<1024x128xf32> -> vector<1024x128xf32>
    %add3A_34 = arith.addf %add3A, %dot_general3A_33 : vector<1024x128xf32>
    %get3A_35 = arith.constant 3 : index
    %get3A_36 = arith.constant 0 : index
    %get3A_37 = arith.constant 0 : index
    %get3A_38 = vector.load %arg1[%get3A_35, %get3A_36, %get3A_37] : memref<6x1024x128xf32, #tpu.memory_space<vmem>>, vector<1x1024x128xf32>
    %get3A_39 = vector.shape_cast %get3A_38 : vector<1x1024x128xf32> to vector<1024x128xf32>
    %get3A_40 = arith.constant 3 : index
    %get3A_41 = arith.constant 0 : index
    %get3A_42 = arith.constant 0 : index
    %get3A_43 = vector.load %arg2[%get3A_40, %get3A_41, %get3A_42] : memref<6x128x128xf32, #tpu.memory_space<vmem>>, vector<1x128x128xf32>
    %get3A_44 = vector.shape_cast %get3A_43 : vector<1x128x128xf32> to vector<128x128xf32>
    %dot_general3A_45 = arith.constant dense<0.000000e+00> : vector<1024x128xf32>
    %dot_general3A_46 = tpu.matmul %get3A_39, %get3A_44, %dot_general3A_45 {dimension_numbers = #tpu.dot_dimension_numbers<[1], [0], [0], [1], [0, 0, 1, 1], [], []>, transpose_lhs_hint = false} : vector<1024x128xf32>, vector<128x128xf32>, vector<1024x128xf32> -> vector<1024x128xf32>
    %add3A_47 = arith.addf %add3A_34, %dot_general3A_46 : vector<1024x128xf32>
    %get3A_48 = arith.constant 4 : index
    %get3A_49 = arith.constant 0 : index
    %get3A_50 = arith.constant 0 : index
    %get3A_51 = vector.load %arg1[%get3A_48, %get3A_49, %get3A_50] : memref<6x1024x128xf32, #tpu.memory_space<vmem>>, vector<1x1024x128xf32>
    %get3A_52 = vector.shape_cast %get3A_51 : vector<1x1024x128xf32> to vector<1024x128xf32>
    %get3A_53 = arith.constant 4 : index
    %get3A_54 = arith.constant 0 : index
    %get3A_55 = arith.constant 0 : index
    %get3A_56 = vector.load %arg2[%get3A_53, %get3A_54, %get3A_55] : memref<6x128x128xf32, #tpu.memory_space<vmem>>, vector<1x128x128xf32>
    %get3A_57 = vector.shape_cast %get3A_56 : vector<1x128x128xf32> to vector<128x128xf32>
    %dot_general3A_58 = arith.constant dense<0.000000e+00> : vector<1024x128xf32>
    %dot_general3A_59 = tpu.matmul %get3A_52, %get3A_57, %dot_general3A_58 {dimension_numbers = #tpu.dot_dimension_numbers<[1], [0], [0], [1], [0, 0, 1, 1], [], []>, transpose_lhs_hint = false} : vector<1024x128xf32>, vector<128x128xf32>, vector<1024x128xf32> -> vector<1024x128xf32>
    %add3A_60 = arith.addf %add3A_47, %dot_general3A_59 : vector<1024x128xf32>
    %get3A_61 = arith.constant 5 : index
    %get3A_62 = arith.constant 0 : index
    %get3A_63 = arith.constant 0 : index
    %get3A_64 = vector.load %arg1[%get3A_61, %get3A_62, %get3A_63] : memref<6x1024x128xf32, #tpu.memory_space<vmem>>, vector<1x1024x128xf32>
    %get3A_65 = vector.shape_cast %get3A_64 : vector<1x1024x128xf32> to vector<1024x128xf32>
    %get3A_66 = arith.constant 5 : index
    %get3A_67 = arith.constant 0 : index
    %get3A_68 = arith.constant 0 : index
    %get3A_69 = vector.load %arg2[%get3A_66, %get3A_67, %get3A_68] : memref<6x128x128xf32, #tpu.memory_space<vmem>>, vector<1x128x128xf32>
    %get3A_70 = vector.shape_cast %get3A_69 : vector<1x128x128xf32> to vector<128x128xf32>
    %dot_general3A_71 = arith.constant dense<0.000000e+00> : vector<1024x128xf32>
    %dot_general3A_72 = tpu.matmul %get3A_65, %get3A_70, %dot_general3A_71 {dimension_numbers = #tpu.dot_dimension_numbers<[1], [0], [0], [1], [0, 0, 1, 1], [], []>, transpose_lhs_hint = false} : vector<1024x128xf32>, vector<128x128xf32>, vector<1024x128xf32> -> vector<1024x128xf32>
    %add3A_73 = arith.addf %add3A_60, %dot_general3A_72 : vector<1024x128xf32>
    %get3A_74 = arith.constant 0 : index
    %get3A_75 = arith.constant 0 : index
    %get3A_76 = vector.load %arg3[%get3A_74, %get3A_75] : memref<1x128xf32, #tpu.memory_space<vmem>>, vector<1x128xf32>
    %add3A_77 = vector.broadcast %get3A_76 : vector<1x128xf32> to vector<1024x128xf32>
    %add3A_78 = arith.addf %add3A_73, %add3A_77 : vector<1024x128xf32>
    %max3A = arith.constant 0.000000e+00 : f32
    %max3A_79 = vector.broadcast %max3A : f32 to vector<1024x128xf32>
    %max3A_80 = arith.maximumf %add3A_78, %max3A_79 : vector<1024x128xf32>
    %get3A_81 = arith.constant 0 : index
    %get3A_82 = arith.constant 0 : index
    %get3A_83 = vector.load %arg4[%get3A_81, %get3A_82] : memref<128x91xf32, #tpu.memory_space<vmem>>, vector<128x91xf32>
    %dot_general3A_84 = arith.constant dense<0.000000e+00> : vector<1024x91xf32>
    %dot_general3A_85 = tpu.matmul %max3A_80, %get3A_83, %dot_general3A_84 {dimension_numbers = #tpu.dot_dimension_numbers<[1], [0], [0], [1], [0, 0, 1, 1], [], []>, transpose_lhs_hint = false} : vector<1024x128xf32>, vector<128x91xf32>, vector<1024x91xf32> -> vector<1024x91xf32>
    %get3A_86 = arith.constant 0 : index
    %get3A_87 = arith.constant 0 : index
    %get3A_88 = vector.load %arg5[%get3A_86, %get3A_87] : memref<1x91xf32, #tpu.memory_space<vmem>>, vector<1x91xf32>
    %add3A_89 = vector.broadcast %get3A_88 : vector<1x91xf32> to vector<1024x91xf32>
    %add3A_90 = arith.addf %dot_general3A_85, %add3A_89 : vector<1024x91xf32>
    %swap3A = arith.constant 0 : index
    %swap3A_91 = arith.constant 0 : index
    %swap3A_92 = vector.load %arg7[%swap3A, %swap3A_91] : memref<1024x91xf32, #tpu.memory_space<vmem>>, vector<1024x91xf32>
    tpu.vector_store %arg7[%swap3A, %swap3A_91], %add3A_90 {strides = array<i32>} : memref<1024x91xf32, #tpu.memory_space<vmem>>, vector<1024x91xf32>,
    return
  }
  func.func @transform_0(%arg0: i32) -> (i32, i32, i32) {
    %c0_i32 = arith.constant 0 : i32
    %c0_i32_0 = arith.constant 0 : i32
    %c0_i32_1 = arith.constant 0 : i32
    return %c0_i32, %arg0, %c0_i32_0 : i32, i32, i32
  }
  func.func @transform_1(%arg0: i32) -> (i32, i32, i32) {
    %c0_i32 = arith.constant 0 : i32
    %c0_i32_0 = arith.constant 0 : i32
    %c0_i32_1 = arith.constant 0 : i32
    %c0_i32_2 = arith.constant 0 : i32
    return %c0_i32, %c0_i32_0, %c0_i32_1 : i32, i32, i32
  }
  func.func @transform_2(%arg0: i32) -> (i32, i32) {
    %c0_i32 = arith.constant 0 : i32
    %c0_i32_0 = arith.constant 0 : i32
    %c0_i32_1 = arith.constant 0 : i32
    return %c0_i32, %c0_i32_0 : i32, i32
  }
  func.func @transform_3(%arg0: i32) -> (i32, i32) {
    %c0_i32 = arith.constant 0 : i32
    %c0_i32_0 = arith.constant 0 : i32
    %c0_i32_1 = arith.constant 0 : i32
    return %c0_i32, %c0_i32_0 : i32, i32
  }
  func.func @transform_4(%arg0: i32) -> (i32, i32) {
    %c0_i32 = arith.constant 0 : i32
    %c0_i32_0 = arith.constant 0 : i32
    %c0_i32_1 = arith.constant 0 : i32
    return %c0_i32, %c0_i32_0 : i32, i32
  }
  func.func @transform_6(%arg0: i32) -> (i32, i32) {
    %add3A = arith.constant 8 : i32
    %add3A_0 = arith.addi %arg0, %add3A : i32
    %c0_i32 = arith.constant 0 : i32
    %c0_i32_1 = arith.constant 0 : i32
    return %add3A_0, %c0_i32 : i32, i32
  }
}

module attributes {stable_mosaic.version = 14 : i64} {
  func.func @_mlp_body(%arg0: i32, %arg1: memref<6x1024x128xf32, #tpu.memory_space<vmem>>, %arg2: memref<6x128x128xf32, #tpu.memory_space<vmem>>, %arg3: memref<1x128xf32, #tpu.memory_space<vmem>>, %arg4: memref<128x91xf32, #tpu.memory_space<vmem>>, %arg5: memref<1x91xf32, #tpu.memory_space<vmem>>, %arg6: memref<1024x91xf32, #tpu.memory_space<vmem>>) attributes {dimension_semantics = [#tpu.dimension_semantics<arbitrary>], iteration_bounds = array<i64: 8>, scalar_prefetch = 0 : i64, scratch_operands = 0 : i64, tpu.core_type = #tpu.core_type<tc>, window_params = [{transform_indices = @transform_0, window_bounds = array<i64: 6, 1024, 128>}, {pipeline_mode = #tpu.pipeline_mode<synchronous>, transform_indices = @transform_1, window_bounds = array<i64: 6, 128, 128>}, {pipeline_mode = #tpu.pipeline_mode<synchronous>, transform_indices = @transform_2, window_bounds = array<i64: 1, 128>}, {pipeline_mode = #tpu.pipeline_mode<synchronous>, transform_indices = @transform_3, window_bounds = array<i64: 128, 91>}, {pipeline_mode = #tpu.pipeline_mode<synchronous>, transform_indices = @transform_4, window_bounds = array<i64: 1, 91>}, {transform_indices = @transform_5, window_bounds = array<i64: 1024, 91>}]} {
    %get3A = arith.constant 0 : index
    %get3A_0 = arith.constant 0 : index
    %get3A_1 = arith.constant 0 : index
    %get3A_2 = vector.load %arg1[%get3A, %get3A_0, %get3A_1] : memref<6x1024x128xf32, #tpu.memory_space<vmem>>, vector<1x1024x128xf32>
    %get3A_3 = vector.shape_cast %get3A_2 : vector<1x1024x128xf32> to vector<1024x128xf32>
    %get3A_4 = arith.constant 0 : index
    %get3A_5 = arith.constant 0 : index
    %get3A_6 = arith.constant 0 : index
    %get3A_7 = vector.load %arg2[%get3A_4, %get3A_5, %get3A_6] : memref<6x128x128xf32, #tpu.memory_space<vmem>>, vector<1x128x128xf32>
    %get3A_8 = vector.shape_cast %get3A_7 : vector<1x128x128xf32> to vector<128x128xf32>
    %dot_general3A = arith.constant dense<0.000000e+00> : vector<1024x128xf32>
    %dot_general3A_9 = tpu.matmul %get3A_3, %get3A_8, %dot_general3A {dimension_numbers = #tpu.dot_dimension_numbers<[1], [0], [0], [1], [0, 0, 1, 1], [], []>, transpose_lhs_hint = false} : vector<1024x128xf32>, vector<128x128xf32>, vector<1024x128xf32> -> vector<1024x128xf32>
    %get3A_10 = arith.constant 1 : index
    %get3A_11 = arith.constant 0 : index
    %get3A_12 = arith.constant 0 : index
    %get3A_13 = vector.load %arg1[%get3A_10, %get3A_11, %get3A_12] : memref<6x1024x128xf32, #tpu.memory_space<vmem>>, vector<1x1024x128xf32>
    %get3A_14 = vector.shape_cast %get3A_13 : vector<1x1024x128xf32> to vector<1024x128xf32>
    %get3A_15 = arith.constant 1 : index
    %get3A_16 = arith.constant 0 : index
    %get3A_17 = arith.constant 0 : index
    %get3A_18 = vector.load %arg2[%get3A_15, %get3A_16, %get3A_17] : memref<6x128x128xf32, #tpu.memory_space<vmem>>, vector<1x128x128xf32>
    %get3A_19 = vector.shape_cast %get3A_18 : vector<1x128x128xf32> to vector<128x128xf32>
    %dot_general3A_20 = arith.constant dense<0.000000e+00> : vector<1024x128xf32>
    %dot_general3A_21 = tpu.matmul %get3A_14, %get3A_19, %dot_general3A_20 {dimension_numbers = #tpu.dot_dimension_numbers<[1], [0], [0], [1], [0, 0, 1, 1], [], []>, transpose_lhs_hint = false} : vector<1024x128xf32>, vector<128x128xf32>, vector<1024x128xf32> -> vector<1024x128xf32>
    %add3A = arith.addf %dot_general3A_9, %dot_general3A_21 : vector<1024x128xf32>
    %get3A_22 = arith.constant 2 : index
    %get3A_23 = arith.constant 0 : index
    %get3A_24 = arith.constant 0 : index
    %get3A_25 = vector.load %arg1[%get3A_22, %get3A_23, %get3A_24] : memref<6x1024x128xf32, #tpu.memory_space<vmem>>, vector<1x1024x128xf32>
    %get3A_26 = vector.shape_cast %get3A_25 : vector<1x1024x128xf32> to vector<1024x128xf32>
    %get3A_27 = arith.constant 2 : index
    %get3A_28 = arith.constant 0 : index
    %get3A_29 = arith.constant 0 : index
    %get3A_30 = vector.load %arg2[%get3A_27, %get3A_28, %get3A_29] : memref<6x128x128xf32, #tpu.memory_space<vmem>>, vector<1x128x128xf32>
    %get3A_31 = vector.shape_cast %get3A_30 : vector<1x128x128xf32> to vector<128x128xf32>
    %dot_general3A_32 = arith.constant dense<0.000000e+00> : vector<1024x128xf32>
    %dot_general3A_33 = tpu.matmul %get3A_26, %get3A_31, %dot_general3A_32 {dimension_numbers = #tpu.dot_dimension_numbers<[1], [0], [0], [1], [0, 0, 1, 1], [], []>, transpose_lhs_hint = false} : vector<1024x128xf32>, vector<128x128xf32>, vector<1024x128xf32> -> vector<1024x128xf32>
    %add3A_34 = arith.addf %add3A, %dot_general3A_33 : vector<1024x128xf32>
    %get3A_35 = arith.constant 3 : index
    %get3A_36 = arith.constant 0 : index
    %get3A_37 = arith.constant 0 : index
    %get3A_38 = vector.load %arg1[%get3A_35, %get3A_36, %get3A_37] : memref<6x1024x128xf32, #tpu.memory_space<vmem>>, vector<1x1024x128xf32>
    %get3A_39 = vector.shape_cast %get3A_38 : vector<1x1024x128xf32> to vector<1024x128xf32>
    %get3A_40 = arith.constant 3 : index
    %get3A_41 = arith.constant 0 : index
    %get3A_42 = arith.constant 0 : index
    %get3A_43 = vector.load %arg2[%get3A_40, %get3A_41, %get3A_42] : memref<6x128x128xf32, #tpu.memory_space<vmem>>, vector<1x128x128xf32>
    %get3A_44 = vector.shape_cast %get3A_43 : vector<1x128x128xf32> to vector<128x128xf32>
    %dot_general3A_45 = arith.constant dense<0.000000e+00> : vector<1024x128xf32>
    %dot_general3A_46 = tpu.matmul %get3A_39, %get3A_44, %dot_general3A_45 {dimension_numbers = #tpu.dot_dimension_numbers<[1], [0], [0], [1], [0, 0, 1, 1], [], []>, transpose_lhs_hint = false} : vector<1024x128xf32>, vector<128x128xf32>, vector<1024x128xf32> -> vector<1024x128xf32>
    %add3A_47 = arith.addf %add3A_34, %dot_general3A_46 : vector<1024x128xf32>
    %get3A_48 = arith.constant 4 : index
    %get3A_49 = arith.constant 0 : index
    %get3A_50 = arith.constant 0 : index
    %get3A_51 = vector.load %arg1[%get3A_48, %get3A_49, %get3A_50] : memref<6x1024x128xf32, #tpu.memory_space<vmem>>, vector<1x1024x128xf32>
    %get3A_52 = vector.shape_cast %get3A_51 : vector<1x1024x128xf32> to vector<1024x128xf32>
    %get3A_53 = arith.constant 4 : index
    %get3A_54 = arith.constant 0 : index
    %get3A_55 = arith.constant 0 : index
    %get3A_56 = vector.load %arg2[%get3A_53, %get3A_54, %get3A_55] : memref<6x128x128xf32, #tpu.memory_space<vmem>>, vector<1x128x128xf32>
    %get3A_57 = vector.shape_cast %get3A_56 : vector<1x128x128xf32> to vector<128x128xf32>
    %dot_general3A_58 = arith.constant dense<0.000000e+00> : vector<1024x128xf32>
    %dot_general3A_59 = tpu.matmul %get3A_52, %get3A_57, %dot_general3A_58 {dimension_numbers = #tpu.dot_dimension_numbers<[1], [0], [0], [1], [0, 0, 1, 1], [], []>, transpose_lhs_hint = false} : vector<1024x128xf32>, vector<128x128xf32>, vector<1024x128xf32> -> vector<1024x128xf32>
    %add3A_60 = arith.addf %add3A_47, %dot_general3A_59 : vector<1024x128xf32>
    %get3A_61 = arith.constant 5 : index
    %get3A_62 = arith.constant 0 : index
    %get3A_63 = arith.constant 0 : index
    %get3A_64 = vector.load %arg1[%get3A_61, %get3A_62, %get3A_63] : memref<6x1024x128xf32, #tpu.memory_space<vmem>>, vector<1x1024x128xf32>
    %get3A_65 = vector.shape_cast %get3A_64 : vector<1x1024x128xf32> to vector<1024x128xf32>
    %get3A_66 = arith.constant 5 : index
    %get3A_67 = arith.constant 0 : index
    %get3A_68 = arith.constant 0 : index
    %get3A_69 = vector.load %arg2[%get3A_66, %get3A_67, %get3A_68] : memref<6x128x128xf32, #tpu.memory_space<vmem>>, vector<1x128x128xf32>
    %get3A_70 = vector.shape_cast %get3A_69 : vector<1x128x128xf32> to vector<128x128xf32>
    %dot_general3A_71 = arith.constant dense<0.000000e+00> : vector<1024x128xf32>
    %dot_general3A_72 = tpu.matmul %get3A_65, %get3A_70, %dot_general3A_71 {dimension_numbers = #tpu.dot_dimension_numbers<[1], [0], [0], [1], [0, 0, 1, 1], [], []>, transpose_lhs_hint = false} : vector<1024x128xf32>, vector<128x128xf32>, vector<1024x128xf32> -> vector<1024x128xf32>
    %add3A_73 = arith.addf %add3A_60, %dot_general3A_72 : vector<1024x128xf32>
    %get3A_74 = arith.constant 0 : index
    %get3A_75 = arith.constant 0 : index
    %get3A_76 = vector.load %arg3[%get3A_74, %get3A_75] : memref<1x128xf32, #tpu.memory_space<vmem>>, vector<1x128xf32>
    %add3A_77 = vector.broadcast %get3A_76 : vector<1x128xf32> to vector<1024x128xf32>
    %add3A_78 = arith.addf %add3A_73, %add3A_77 : vector<1024x128xf32>
    %max3A = arith.constant 0.000000e+00 : f32
    %max3A_79 = vector.broadcast %max3A : f32 to vector<1024x128xf32>
    %max3A_80 = arith.maximumf %add3A_78, %max3A_79 : vector<1024x128xf32>
    %get3A_81 = arith.constant 0 : index
    %get3A_82 = arith.constant 0 : index
    %get3A_83 = vector.load %arg4[%get3A_81, %get3A_82] : memref<128x91xf32, #tpu.memory_space<vmem>>, vector<128x91xf32>
    %dot_general3A_84 = arith.constant dense<0.000000e+00> : vector<1024x91xf32>
    %dot_general3A_85 = tpu.matmul %max3A_80, %get3A_83, %dot_general3A_84 {dimension_numbers = #tpu.dot_dimension_numbers<[1], [0], [0], [1], [0, 0, 1, 1], [], []>, transpose_lhs_hint = false} : vector<1024x128xf32>, vector<128x91xf32>, vector<1024x91xf32> -> vector<1024x91xf32>
    %get3A_86 = arith.constant 0 : index
    %get3A_87 = arith.constant 0 : index
    %get3A_88 = vector.load %arg5[%get3A_86, %get3A_87] : memref<1x91xf32, #tpu.memory_space<vmem>>, vector<1x91xf32>
    %add3A_89 = vector.broadcast %get3A_88 : vector<1x91xf32> to vector<1024x91xf32>
    %add3A_90 = arith.addf %dot_general3A_85, %add3A_89 : vector<1024x91xf32>
    %swap3A = arith.constant 0 : index
    %swap3A_91 = arith.constant 0 : index
    %swap3A_92 = vector.load %arg6[%swap3A, %swap3A_91] : memref<1024x91xf32, #tpu.memory_space<vmem>>, vector<1024x91xf32>
    tpu.vector_store %arg6[%swap3A, %swap3A_91], %add3A_90 {strides = array<i32>} : memref<1024x91xf32, #tpu.memory_space<vmem>>, vector<1024x91xf32>,
    return
  }
  func.func @transform_0(%arg0: i32) -> (i32, i32, i32) {
    %c0_i32 = arith.constant 0 : i32
    %c0_i32_0 = arith.constant 0 : i32
    %c0_i32_1 = arith.constant 0 : i32
    return %c0_i32, %arg0, %c0_i32_0 : i32, i32, i32
  }
  func.func @transform_1(%arg0: i32) -> (i32, i32, i32) {
    %c0_i32 = arith.constant 0 : i32
    %c0_i32_0 = arith.constant 0 : i32
    %c0_i32_1 = arith.constant 0 : i32
    %c0_i32_2 = arith.constant 0 : i32
    return %c0_i32, %c0_i32_0, %c0_i32_1 : i32, i32, i32
  }
  func.func @transform_2(%arg0: i32) -> (i32, i32) {
    %c0_i32 = arith.constant 0 : i32
    %c0_i32_0 = arith.constant 0 : i32
    %c0_i32_1 = arith.constant 0 : i32
    return %c0_i32, %c0_i32_0 : i32, i32
  }
  func.func @transform_3(%arg0: i32) -> (i32, i32) {
    %c0_i32 = arith.constant 0 : i32
    %c0_i32_0 = arith.constant 0 : i32
    %c0_i32_1 = arith.constant 0 : i32
    return %c0_i32, %c0_i32_0 : i32, i32
  }
  func.func @transform_4(%arg0: i32) -> (i32, i32) {
    %c0_i32 = arith.constant 0 : i32
    %c0_i32_0 = arith.constant 0 : i32
    %c0_i32_1 = arith.constant 0 : i32
    return %c0_i32, %c0_i32_0 : i32, i32
  }
  func.func @transform_5(%arg0: i32) -> (i32, i32) {
    %add3A = arith.constant 0 : i32
    %add3A_0 = arith.addi %arg0, %add3A : i32
    %c0_i32 = arith.constant 0 : i32
    %c0_i32_1 = arith.constant 0 : i32
    return %add3A_0, %c0_i32 : i32, i32
  }
}

</mosaic_0001>

<sc_bundles>
// kernel: kernel.11.cloned.1.call-start
scs
__scs_entry_jumppad:
0x0: {  	(pc) =	sbr.rel $0x88, $3  }
0x1: {  	(tag) =	ssettag $0x0;
	lr =	simm.s32 $0x1  }
0x2: {  	[smem:$0x3F9B] =	sst lr;
	_ =	strace $0xD0000000  }
0x3: {  	_ = 	snop  }
0x4: {  	_ = 	snop  }
0x5: {  	_ = 	snop  }
0x6: {  	_ = 	snop  }
0x7: {  	_ = 	snop  }
__scs_overlays_trampoline_lowered:
0x8: {  	[smem:$0x3FAA] =	sst s0  }
0x9: {  	[smem:$0x3FAB] =	sst s1  }
0xa: {  	[smem:$0x3FAC] =	sst s2  }
0xb: {  	[smem:$0x3FAD] =	sst s3  }
0xc: {  	[smem:$0x3FAE] =	sst s4  }
0xd: {  	[smem:$0x3FAF] =	sst s5  }
0xe: {  	[smem:$0x3FB0] =	sst s6  }
0xf: {  	[smem:$0x3FB1] =	sst s7  }
0x10: {  	[smem:$0x3FB2] =	sst s8  }
0x11: {  	[smem:$0x3FB3] =	sst s9;
	s0 =	simm.s32 @!p0 $0x0  }
0x12: {  	s1 =	sld [smem:$0x3F99];
	s0 =	simm.s32 @p0 $0x1  }
0x13: {  	[smem:$0x3FB4] =	sst s0;
	s0 =	simm.s32 @!p1 $0x0  }
0x14: {  	s2 =	sld [smem:$0x3F98];
	s0 =	simm.s32 @p1 $0x1  }
0x15: {  	[smem:$0x3FB5] =	sst s0;
	s0 =	simm.s32 @!p2 $0x0  }
0x16: {  	s3 =	sld [smem:$0x3FDB];
	s0 =	simm.s32 @p2 $0x1  }
0x17: {  	s4 =	simm.s32 $0x1BF5;
	[smem:$0x3FB7] =	sst s0  }
0x18: {  	s0 =	sld [smem:$0x3F9A];
	_ =	swait.ge [sflag:s4], $0x0  }
0x19: {  	s7 =	sld [smem:$0x3F9B]  }
0x1a: {  	s8 =	sadd.s32 $0xFFFFE003, lr  }
0x1b: {  	s9 =	sadd.s32 $0xFFFFFEF7, lr;
	s5 =	simm.s32 $0xFFFFFFFF;
	p2 =	slt.u32 s8, $0xFFFFF086  }
0x1c: {  	p1 =	slt.u32 s9, $0xF7A;
	s5 =	simm.s32 @!p2 $0x0  }
0x1d: {  	s5 =	simm.s32 @p1 $0x1;
	p0 =	seq.s32 s7, s2  }
0x1e: {  	s7 =	smul.u32 @!p0 $0xF7A, s2;
	p2 =	seq.s32 @!p0 s5, $0x0  }
0x1f: {  	s9 =	smul.u32 $0xF7A, s1;
	s8 =	simm.s32 @!p0 $0x1BF5;
	p2 =	por !p2, p0  }
0x20: {  	[sflag:s8] =	ssyncset.s32 @!p0 $0xFFFFF086;
	s6 =	sadd.s32 @!p0 s3, s7;
	s7 =	simm.s32 @!p0 $0x108  }
0x21: {  	s3 =	sadd.s32 s3, s9;
	s6 =	sadd.s32 @!p0 $0x88, s6;
	s7 =	simm.s32 @p2 $0x1082  }
0x22: {  	[simem:s7], [sflag:s8] =	dma.local @!p0 [hbm:s6], $0xF7A  }
0x23: {  	s9 =	sor.u32 $0xD0000000, s2;
	s6 =	simm.s32 $0x108;
	_ =	swait.ge @!p0 [sflag:s8], $0x0  }
0x24: {  	s3 =	sadd.s32 $0x88, s3;
	s6 =	simm.s32 @!p1 $0x1082;
	[sflag:s4] =	ssyncset.s32 $0xFFFFF086  }
0x25: {  	[simem:s6], [sflag:s4] =	dma.local [hbm:s3], $0xF7A  }
0x26: {  	[smem:$0x3F9B] =	sst s1;
	(tag) =	ssettag s2;
	_ =	strace s9  }
0x27: {  	s1 =	sld [smem:$0x3FAB]  }
0x28: {  	s2 =	sld [smem:$0x3FAC]  }
0x29: {  	s4 =	sld [smem:$0x3FAE]  }
0x2a: {  	p0 =	seq.s32 s5, $0x0;
	s5 =	sld [smem:$0x3FAF]  }
0x2b: {  	s6 =	sld [smem:$0x3FB0]  }
0x2c: {  	s7 =	sld [smem:$0x3FB1]  }
0x2d: {  	s3 =	simm.s32 $0x108;
	s8 =	sld [smem:$0x3FB2]  }
0x2e: {  	s3 =	simm.s32 @!p0 $0x1082;
	s9 =	sld [smem:$0x3FB3]  }
0x2f: {  	lr =	sadd.s32 s0, s3;
	s0 =	sld [smem:$0x3FAA]  }
0x30: {  	s3 =	sld [smem:$0x3FAD]  }
0x31: {  	[smem:$0x3FB6] =	sst s10  }
0x32: {  	s10 =	sld [smem:$0x3FB4];
	_ =	sdelay $0x3  }
0x33: {  	p0 =	seq.s32 s10, $0x1;
	s10 =	sld [smem:$0x3FB6];
	_ =	sdelay $0x3  }
0x34: {  	[smem:$0x3FB6] =	sst s10  }
0x35: {  	s10 =	sld [smem:$0x3FB5];
	_ =	sdelay $0x3  }
0x36: {  	p1 =	seq.s32 s10, $0x1;
	s10 =	sld [smem:$0x3FB6];
	_ =	sdelay $0x3  }
0x37: {  	[smem:$0x3FB6] =	sst s10  }
0x38: {  	s10 =	sld [smem:$0x3FB7]  }
0x39: {  	_ = 	snop;
	(pc) =	sbr.ind lr, $3  }
0x3a: {  	_ = 	snop  }
0x3b: {  	_ = 	snop  }
0x3c: {  	p2 =	seq.s32 s10, $0x1;
	s10 =	sld [smem:$0x3FB6]  }
0x3d: {  	_ =	shalt  }
0x3e: {  	_ =	shalt  }
0x3f: {  	_ =	shalt  }
0x40: {  	_ =	shalt  }
0x41: {  	_ =	shalt  }
0x42: {  	_ =	shalt  }
0x43: {  	_ =	shalt  }
0x44: {  	_ =	shalt  }
0x45: {  	_ =	shalt  }
0x46: {  	_ =	shalt  }
0x47: {  	_ =	shalt  }
0x48: {  	_ =	shalt  }
0x49: {  	_ =	shalt  }
0x4a: {  	_ =	shalt  }
0x4b: {  	_ =	shalt  }
0x4c: {  	_ =	shalt  }
0x4d: {  	_ =	shalt  }
0x4e: {  	_ =	shalt  }
0x4f: {  	_ =	shalt  }
0x50: {  	_ =	shalt  }
0x51: {  	_ =	shalt  }
0x52: {  	_ =	shalt  }
0x53: {  	_ =	shalt  }
0x54: {  	_ =	shalt  }
0x55: {  	_ =	shalt  }
0x56: {  	_ =	shalt  }
0x57: {  	_ =	shalt  }
0x58: {  	_ =	shalt  }
0x59: {  	_ =	shalt  }
0x5a: {  	_ =	shalt  }
0x5b: {  	_ =	shalt  }
0x5c: {  	_ =	shalt  }
0x5d: {  	_ =	shalt  }
0x5e: {  	_ =	shalt  }
0x5f: {  	_ =	shalt  }
0x60: {  	_ =	shalt  }
0x61: {  	_ =	shalt  }
0x62: {  	_ =	shalt  }
0x63: {  	_ =	shalt  }
0x64: {  	_ =	shalt  }
0x65: {  	_ =	shalt  }
0x66: {  	_ =	shalt  }
0x67: {  	_ =	shalt  }
0x68: {  	_ =	shalt  }
0x69: {  	_ =	shalt  }
0x6a: {  	_ =	shalt  }
0x6b: {  	_ =	shalt  }
0x6c: {  	_ =	shalt  }
0x6d: {  	_ =	shalt  }
0x6e: {  	_ =	shalt  }
0x6f: {  	_ =	shalt  }
0x70: {  	_ =	shalt  }
0x71: {  	_ =	shalt  }
0x72: {  	_ =	shalt  }
0x73: {  	_ =	shalt  }
0x74: {  	_ =	shalt  }
0x75: {  	_ =	shalt  }
0x76: {  	_ =	shalt  }
0x77: {  	_ =	shalt  }
0x78: {  	_ =	shalt  }
0x79: {  	_ =	shalt  }
0x7a: {  	_ =	shalt  }
0x7b: {  	_ =	shalt  }
0x7c: {  	_ =	shalt  }
0x7d: {  	_ =	shalt  }
0x7e: {  	_ =	shalt  }
0x7f: {  	_ =	shalt  }
0x80: {  	_ =	shalt  }
0x81: {  	_ =	shalt  }
0x82: {  	_ =	shalt  }
0x83: {  	_ =	shalt  }
0x84: {  	_ =	shalt  }
0x85: {  	_ =	shalt  }
0x86: {  	_ =	shalt  }
0x87: {  	_ =	shalt  }
.Lfunc_end0:
.L_simem_size_0:
called_computation.1_lowered:
.L_overlay_start_0:
0x88: {  	s2 =	sld [smem:$0x3FD9]  }
0x89: {  	s3 =	sld [smem:$0x3FFE];
	_ =	sdelay $0x1  }
0x8a: {  	s1 =	srdreg.scid  }
0x8b: {  	s0 =	sand.u32 $0x1, s1  }
0x8c: {  	s17 =	sshll.u32 s0, $0xA;
	s2 =	sadd.s32 s3, s2  }
0x8d: {  	s2 =	sadd.s32 s2, s17  }
0x8e: {  	[smem:$0x3FC2] =	sst s2  }
0x8f: {  	_ = 	snop  }
0x90: {  	s18 =	sld [smem:$0x3FC8];
	(tm) =	ssettm $0x1  }
0x91: {  	s19 =	sld [smem:$0x3FFB];
	_ =	sdelay $0x3  }
0x92: {  	_ =	strace s19  }
0x93: {  	s2 =	sld [smem:$0x3FFC];
	_ =	sdelay $0x3  }
0x94: {  	_ =	strace s2  }
0x95: {  	s2 =	sld [smem:$0x3FFD];
	_ =	sdelay $0x3  }
0x96: {  	_ =	strace s2  }
0x97: {  	_ =	strace $0x8FFFFFFF  }
0x98: {  	s20 =	sld [smem:$0x3FDB];
	_ =	sdelay $0x1  }
0x99: {  	s4 =	simm.s32 $_scs_section_size  }
0x9a: {  	s5 =	simm.s32 $_size__tile_overlayer_lowered;
	s6 =	simm.s32 $_tile_overlayer_lowered  }
0x9b: {  	s7 =	simm.s32 $0x1BFF;
	s21 =	sshll.u32 s6, $0x1;
	s4 =	sadd.s32 s4, s20  }
0x9c: {  	s22 =	simm.s32 $0x0;
	s5 =	sshll.u32 s5, $0x1;
	s6 =	sadd.s32 s21, s4  }
0x9d: {  	[timem:s22], [sflag:s7] =	dma.local [hbm:s6], s5  }
0x9e: {  	_ =	swait.ge [sflag:s7], s5  }
0x9f: {  	s5 =	ssub.s32 $0x0, s5;
	[sflag:s7] =	ssyncset.done $0x0  }
0xa0: {  	[sflag:s7] =	ssyncadd.s32 s5;
	_ =	sdelay $0x1  }
0xa1: {  	s23 =	simm.s32 $0x1B8B  }
0xa2: {  	_ =	swait.ge [sflag:s23], $0x1  }
0xa3: {  	[sflag:s23] =	ssyncset.done $0x0  }
0xa4: {  	[sflag:s23] =	ssyncadd.s32 $0xFFFFFFFF  }
0xa5: {  	s5 =	sld [smem:$0x0]  }
0xa6: {  	s6 =	sand.u32 $0xFFFFFFFE, s1  }
0xa7: {  	p0 =	sne.s32 s1, s6  }
0xa8: {  	s6 =	sshll.u32 @p0 s6, $0xE  }
0xa9: {  	s6 =	sadd.s32 @p0 $0x11B8D, s6;
	s7 =	sshll.u32 @p0 s5, $0x11  }
0xaa: {  	s6 =	sor.u32 @p0 s7, s6  }
0xab: {  	[sflag:s6] =	ssyncadd.remote.s32 @p0 $0x1;
	_ =	sdelay $0x1  }
0xac: {  	s6 =	simm.s32 @p0 $0x1B8D  }
0xad: {  	_ =	swait.eq @p0 [sflag:s6], $0x1  }
0xae: {  	[sflag:s6] =	ssyncadd.s32 @p0 $0xFFFFFFFF  }
0xaf: {  	s7 =	sshll.u32 @!p0 s1, $0xE  }
0xb0: {  	s7 =	sor.u32 @!p0 $0x4000, s7;
	s6 =	simm.s32 @!p0 $0x1B8D  }
0xb1: {  	s5 =	sshll.u32 @!p0 s5, $0x11;
	s7 =	sadd.s32 @!p0 $0x11B8D, s7;
	_ =	swait.eq @!p0 [sflag:s6], $0x1  }
0xb2: {  	s5 =	sor.u32 @!p0 s5, s7;
	[sflag:s6] =	ssyncadd.s32 @!p0 $0xFFFFFFFF  }
0xb3: {  	s25 =	simm.s32 $0x1B8E;
	s24 =	sld [smem:$0x3FFE];
	[sflag:s5] =	ssyncadd.remote.s32 @!p0 $0x1  }
0xb4: {  	s26 =	simm.s32 $execute0_lowered;
	[smem:$0x3FD2] =	sst s25  }
0xb5: {  	s6 =	sshll.u32 s26, $0x1;
	_ =	strace $0x80000049;
	[dreg:$0x1] =	wrdreg $0xFFFFFFFF  }
0xb6: {  	s28 =	simm.s32 $_size_execute0_lowered;
	s4 =	sadd.s32 s4, s6;
	[dreg:$0x0] =	wrdreg $0x0  }
0xb7: {  	s6 =	sshll.u32 s28, $0x1;
	[dreg:$0x2] =	wrdreg s4  }
0xb8: {  	[dreg:$0x3] =	wrdreg s6  }
0xb9: {  	[dreg:$0x4] =	wrdreg $0xC0  }
0xba: {  	_ =	task [dreg:s22], $0x5FFFF  }
0xbb: {  	[dreg:$0x1] =	wrdreg $0xFFFFFFFF  }
0xbc: {  	[dreg:$0x0] =	wrdreg $0x60  }
0xbd: {  	[dreg:$0x2] =	wrdreg s24  }
0xbe: {  	[dreg:$0x3] =	wrdreg s18  }
0xbf: {  	[dreg:$0x4] =	wrdreg $0xA  }
0xc0: {  	_ =	task.clear_ibuf [dreg:s22], $0x5FFFF;
	_ =	strace $0x90000049  }
0xc1: {  	s29 =	simm.s32 $0xA;
	_ =	strace $0x8000004B  }
0xc2: {  	_ =	swait.ge [sflag:s29], $0x1  }
0xc3: {  	[sflag:s29] =	ssyncadd.s32 $0xFFFFFFFF  }
0xc4: {  	_ =	strace $0x9000004B  }
0xc5: {  	_ =	sfence  }
0xc6: {  	s30 =	sld [smem:$0x0];
	_ =	sdelay $0x2  }
0xc7: {  	s31 =	sshll.u32 s1, $0xD;
	s1 =	sshrl.u32 s1, $0x2  }
0xc8: {  	s4 =	sand.u32 $0x4000, s31;
	s1 =	sadd.s32 s1, s30  }
0xc9: {  	s0 =	sor.u32 s4, s0;
	s1 =	sshll.u32 s1, $0x11  }
0xca: {  	s0 =	sor.u32 s1, s0  }
0xcb: {  	s0 =	sadd.s32 $0x8F2B, s0  }
0xcc: {  	[sflag:s0] =	ssyncadd.remote.s32 $0x1  }
0xcd: {  	_ =	sfence.sel $0xFFFF  }
0xce: {  	[dreg:$0x0] =	wrdreg $0xFFFFFFFF;
	(pc) =	sbr.abs _section_cstart, $3  }
0xcf: {  	[dreg:$0x1] =	wrdreg $0xFFFFFFFF  }
0xd0: {  	_ =	task.clear_ibuf [dreg:s22], $0x2FFFF;
	_ =	strace $0x9FFFFFFF  }
0xd1: {  	(tm) =	ssettm $0x7FFFFFFF  }
tec
execute0_lowered:
.L_overlay_start_1:
0x0: {  	(tag) =	ssettag $0x1  }
0x1: {  	s1 =	srdreg.scid;
	s0 =	stileid.u32  }
0x2: {  	s14 =	sand.u32 $0x1, s1;
	s30 =	sshll.u32 s0, $0x1  }
0x3: {  	s10 =	rddreg [dreg:$0x0];
	s11 =	sor.u32 s14, s30  }
0x4: {  	s2 =	rddreg [dreg:$0x1];
	s4 =	smul.u32 $0x90, s11  }
0x5: {  	s3 =	simm.s32 $0x0;
	s1 =	rddreg [dreg:$0x2]  }
0x6: {  	[smem:$0x7FF] =	sst s3;
	s4 =	sadd.s32 s4, s10  }
0x7: {  	_ =	strace $0x8000004A;
	s5 =	sadd.s32 $0xC2E00, s4;
	s4 =	simm.s32 $0x3  }
0x8: {  	[tilespmem:s3], [sflag:$0x3] =	stream.linear.gather [hbm4b:s5+s3], $0x480, $0x38;
	[tilespmem:$0x18480] =	vst v63  }
0x9: {  	_ =	swait.ge [sflag:s4], $0x480  }
0xa: {  	[sflag:s4] =	ssyncset.done $0x0  }
0xb: {  	s6 =	simm.s32 $0x180;
	s7 =	simm.s32 $0x480;
	[sflag:s4] =	ssyncadd.s32 $0xFFFFFB80  }
0xc: {  	[tilespmem:s7], [sflag:$0x1] =	stream.indirect.gather [hbm4b:s2+s6], $0x80, s3, s6, $0xb8;
	[tilespmem:$0x18480] =	vst v63  }
0xd: {  	s8 =	simm.s32 $0xC480;
	s9 =	simm.s32 $0x1  }
0xe: {  	[tilespmem:s8], [sflag:$0x2] =	stream.indirect.gather [hbm4b:s2+s6], $0x80, s6, s6, $0xb8;
	[tilespmem:$0x18480] =	vst v63  }
0xf: {  	s12 =	smul.u32 $0x4800, s11;
	_ =	swait.ge [sflag:s9], $0xC000  }
0x10: {  	s13 =	sadd.s32 $0xC4000, s10;
	[sflag:s9] =	ssyncset.done $0x0  }
0x11: {  	s10 =	sadd.s32 s13, s12;
	[sflag:s9] =	ssyncadd.s32 $0xFFFF4000  }
0x12: {  	[hbm4b:s10+s3] =	stream.linear.scatter [tilespmem:s7], [sflag:$0x3], $0xC000, $0x38;
	[tilespmem:$0x18480] =	vst v63  }
0x13: {  	_ =	swait.ge [sflag:s4], $0xC000  }
0x14: {  	s15 =	smul.u32 $0x24000, s11;
	[sflag:s4] =	ssyncset.done $0x0  }
0x15: {  	s11 =	simm.s32 $0x300;
	s12 =	simm.s32 $0x2;
	[sflag:s4] =	ssyncadd.s32 $0xFFFF4000  }
0x16: {  	[tilespmem:s7], [sflag:$0x1] =	stream.indirect.gather [hbm4b:s2+s6], $0x80, s11, s6, $0xb8;
	[tilespmem:$0x18480] =	vst v63  }
0x17: {  	s15 =	sshrl.u32 s15, $0x3;
	_ =	swait.ge [sflag:s12], $0xC000  }
0x18: {  	s15 =	sadd.s32 s13, s15;
	[sflag:s12] =	ssyncset.done $0x0  }
0x19: {  	s14 =	ssub.s32 $0x2, s14;
	s13 =	sadd.s32 $0x1800, s15;
	[sflag:s12] =	ssyncadd.s32 $0xFFFF4000  }
0x1a: {  	[hbm4b:s13+s3] =	stream.linear.scatter [tilespmem:s8], [sflag:$0x3], $0xC000, $0x38;
	[tilespmem:$0x18480] =	vst v63  }
0x1b: {  	s16 =	sshrl.u32 s14, $0x1;
	_ =	swait.ge [sflag:s4], $0xC000  }
0x1c: {  	s16 =	ssub.s32 s14, s16;
	[sflag:s4] =	ssyncset.done $0x0  }
0x1d: {  	s31 =	smax.u32 s16, $0x1;
	[sflag:s4] =	ssyncadd.s32 $0xFFFF4000  }
0x1e: {  	p0 =	sne.s32 s31, $0x1;
	_ =	swait.ge [sflag:s9], $0xC000  }
.Ltmp0:
0x1f: {  	[sflag:s9] =	ssyncset.done $0x0;
	(pc) =	sbr.rel @!p0 .LBB2_2-.Ltmp0, $4  }
0x20: {  	s14 =	sadd.s32 $0x3000, s15;
	[sflag:s9] =	ssyncadd.s32 $0xFFFF4000  }
0x21: {  	[hbm4b:s14+s3] =	stream.linear.scatter [tilespmem:s7], [sflag:$0x3], $0xC000, $0x38;
	[tilespmem:$0x18480] =	vst v63  }
0x22: {  	_ =	swait.ge [sflag:s4], $0xC000  }
0x23: {  	s15 =	sadd.s32 $0xFFFFFFFF, s31;
	[sflag:s4] =	ssyncset.done $0x0  }
.LBB2_1:
0x24: {  	p0 =	sne.s32 s15, $0x1;
	s15 =	sadd.s32 $0xFFFFFFFF, s15;
	[sflag:s4] =	ssyncadd.s32 $0xFFFF4000  }
0x25: {  	[tilespmem:s3], [sflag:$0x3] =	stream.linear.gather [hbm4b:s5+s3], $0x480, $0x38;
	[tilespmem:$0x18480] =	vst v63  }
0x26: {  	_ =	swait.ge [sflag:s4], $0x480  }
0x27: {  	[sflag:s4] =	ssyncset.done $0x0  }
0x28: {  	[sflag:s4] =	ssyncadd.s32 $0xFFFFFB80  }
0x29: {  	[tilespmem:s7], [sflag:$0x1] =	stream.indirect.gather [hbm4b:s2+s6], $0x80, s3, s6, $0xb8;
	[tilespmem:$0x18480] =	vst v63  }
0x2a: {  	_ = 	snop  }
0x2b: {  	[tilespmem:s8], [sflag:$0x2] =	stream.indirect.gather [hbm4b:s2+s6], $0x80, s6, s6, $0xb8;
	[tilespmem:$0x18480] =	vst v63  }
0x2c: {  	_ =	swait.ge [sflag:s9], $0xC000  }
0x2d: {  	[sflag:s9] =	ssyncset.done $0x0  }
0x2e: {  	[sflag:s9] =	ssyncadd.s32 $0xFFFF4000  }
0x2f: {  	[hbm4b:s10+s3] =	stream.linear.scatter [tilespmem:s7], [sflag:$0x3], $0xC000, $0x38;
	[tilespmem:$0x18480] =	vst v63  }
0x30: {  	_ =	swait.ge [sflag:s4], $0xC000  }
0x31: {  	[sflag:s4] =	ssyncset.done $0x0  }
0x32: {  	[sflag:s4] =	ssyncadd.s32 $0xFFFF4000  }
0x33: {  	[tilespmem:s7], [sflag:$0x1] =	stream.indirect.gather [hbm4b:s2+s6], $0x80, s11, s6, $0xb8;
	[tilespmem:$0x18480] =	vst v63  }
0x34: {  	_ =	swait.ge [sflag:s12], $0xC000  }
0x35: {  	[sflag:s12] =	ssyncset.done $0x0  }
0x36: {  	[sflag:s12] =	ssyncadd.s32 $0xFFFF4000  }
0x37: {  	[hbm4b:s13+s3] =	stream.linear.scatter [tilespmem:s8], [sflag:$0x3], $0xC000, $0x38;
	[tilespmem:$0x18480] =	vst v63  }
0x38: {  	_ =	swait.ge [sflag:s4], $0xC000  }
0x39: {  	[sflag:s4] =	ssyncset.done $0x0  }
0x3a: {  	[sflag:s4] =	ssyncadd.s32 $0xFFFF4000  }
0x3b: {  	_ =	swait.ge [sflag:s9], $0xC000  }
.Ltmp1:
0x3c: {  	[sflag:s9] =	ssyncset.done $0x0;
	(pc) =	sbr.rel @p0 .LBB2_1-.Ltmp1, $4  }
0x3d: {  	[sflag:s9] =	ssyncadd.s32 $0xFFFF4000  }
0x3e: {  	[hbm4b:s14+s3] =	stream.linear.scatter [tilespmem:s7], [sflag:$0x3], $0xC000, $0x38;
	[tilespmem:$0x18480] =	vst v63  }
0x3f: {  	_ =	swait.ge [sflag:s4], $0xC000  }
0x40: {  	[sflag:s4] =	ssyncset.done $0x0  }
.LBB2_2:
0x41: {  	[sflag:s4] =	ssyncadd.s32 $0xFFFF4000  }
0x42: {  	_ =	sfence.sel $0x180000  }
0x43: {  	[bflag:$0x0] =	sbarrier.arrive $0xFFFF  }
0x44: {  	p0 =	sne.s32 s0, $0x0;
	_ =	strace $0x9000004A  }
0x45: {  	s0 =	sadd.s32 @!p0 $0x100000, s1;
	[bflag:$0x2] =	sbarrier.arrive $0xFFFF  }
0x46: {  	[sflag:s0] =	ssyncadd.tile.s32 @!p0 $0x1;
	_ =	shalt  }
.Lfunc_end2:
_tile_overlayer_lowered:
.L_overlay_start_2:
0x47: {  	(tag) =	ssettag $0x2  }
0x48: {  	s0 =	rddreg [dreg:$0x0];
	s2 =	stileid.u32  }
0x49: {  	s1 =	rddreg [dreg:$0x1];
	p0 =	sne.s32 s2, $0x0  }
0x4a: {  	s3 =	rddreg [dreg:$0x2];
	[bflag:$0x3] =	sbarrier.arrive $0xFFFF;
	s2 =	simm.s32 @!p0 $0x1C03  }
0x4b: {  	[timem:s3], [sflag:s2] =	dma.local @!p0 [hbm:s0], s1  }
0x4c: {  	s0 =	simm.s32 @!p0 $0x3  }
0x4d: {  	_ =	swait.ge @!p0 [sflag:s0], s1  }
0x4e: {  	s1 =	ssub.s32 @!p0 $0x0, s1;
	[sflag:s0] =	ssyncset.done @!p0 $0x0  }
0x4f: {  	[sflag:s0] =	ssyncadd.s32 @!p0 s1  }
0x50: {  	[bflag:$0x3] =	sbarrier.arrive $0xFFFF  }
0x51: {  	_ =	shalt  }

// kernel: kernel.14.cloned.1.call-start
scs
__scs_entry_jumppad:
0x0: {  	(pc) =	sbr.rel $0x88, $3  }
0x1: {  	(tag) =	ssettag $0x0;
	lr =	simm.s32 $0x1  }
0x2: {  	[smem:$0x3F9B] =	sst lr;
	_ =	strace $0xD0000000  }
0x3: {  	_ = 	snop  }
0x4: {  	_ = 	snop  }
0x5: {  	_ = 	snop  }
0x6: {  	_ = 	snop  }
0x7: {  	_ = 	snop  }
__scs_overlays_trampoline_lowered:
0x8: {  	[smem:$0x3FAA] =	sst s0  }
0x9: {  	[smem:$0x3FAB] =	sst s1  }
0xa: {  	[smem:$0x3FAC] =	sst s2  }
0xb: {  	[smem:$0x3FAD] =	sst s3  }
0xc: {  	[smem:$0x3FAE] =	sst s4  }
0xd: {  	[smem:$0x3FAF] =	sst s5  }
0xe: {  	[smem:$0x3FB0] =	sst s6  }
0xf: {  	[smem:$0x3FB1] =	sst s7  }
0x10: {  	[smem:$0x3FB2] =	sst s8  }
0x11: {  	[smem:$0x3FB3] =	sst s9;
	s0 =	simm.s32 @!p0 $0x0  }
0x12: {  	s1 =	sld [smem:$0x3F99];
	s0 =	simm.s32 @p0 $0x1  }
0x13: {  	[smem:$0x3FB4] =	sst s0;
	s0 =	simm.s32 @!p1 $0x0  }
0x14: {  	s2 =	sld [smem:$0x3F98];
	s0 =	simm.s32 @p1 $0x1  }
0x15: {  	[smem:$0x3FB5] =	sst s0;
	s0 =	simm.s32 @!p2 $0x0  }
0x16: {  	s3 =	sld [smem:$0x3FDB];
	s0 =	simm.s32 @p2 $0x1  }
0x17: {  	s4 =	simm.s32 $0x1BF5;
	[smem:$0x3FB7] =	sst s0  }
0x18: {  	s0 =	sld [smem:$0x3F9A];
	_ =	swait.ge [sflag:s4], $0x0  }
0x19: {  	s7 =	sld [smem:$0x3F9B]  }
0x1a: {  	s8 =	sadd.s32 $0xFFFFE003, lr  }
0x1b: {  	s9 =	sadd.s32 $0xFFFFFEF7, lr;
	s5 =	simm.s32 $0xFFFFFFFF;
	p2 =	slt.u32 s8, $0xFFFFF086  }
0x1c: {  	p1 =	slt.u32 s9, $0xF7A;
	s5 =	simm.s32 @!p2 $0x0  }
0x1d: {  	s5 =	simm.s32 @p1 $0x1;
	p0 =	seq.s32 s7, s2  }
0x1e: {  	s7 =	smul.u32 @!p0 $0xF7A, s2;
	p2 =	seq.s32 @!p0 s5, $0x0  }
0x1f: {  	s9 =	smul.u32 $0xF7A, s1;
	s8 =	simm.s32 @!p0 $0x1BF5;
	p2 =	por !p2, p0  }
0x20: {  	[sflag:s8] =	ssyncset.s32 @!p0 $0xFFFFF086;
	s6 =	sadd.s32 @!p0 s3, s7;
	s7 =	simm.s32 @!p0 $0x108  }
0x21: {  	s3 =	sadd.s32 s3, s9;
	s6 =	sadd.s32 @!p0 $0x88, s6;
	s7 =	simm.s32 @p2 $0x1082  }
0x22: {  	[simem:s7], [sflag:s8] =	dma.local @!p0 [hbm:s6], $0xF7A  }
0x23: {  	s9 =	sor.u32 $0xD0000000, s2;
	s6 =	simm.s32 $0x108;
	_ =	swait.ge @!p0 [sflag:s8], $0x0  }
0x24: {  	s3 =	sadd.s32 $0x88, s3;
	s6 =	simm.s32 @!p1 $0x1082;
	[sflag:s4] =	ssyncset.s32 $0xFFFFF086  }
0x25: {  	[simem:s6], [sflag:s4] =	dma.local [hbm:s3], $0xF7A  }
0x26: {  	[smem:$0x3F9B] =	sst s1;
	(tag) =	ssettag s2;
	_ =	strace s9  }
0x27: {  	s1 =	sld [smem:$0x3FAB]  }
0x28: {  	s2 =	sld [smem:$0x3FAC]  }
0x29: {  	s4 =	sld [smem:$0x3FAE]  }
0x2a: {  	p0 =	seq.s32 s5, $0x0;
	s5 =	sld [smem:$0x3FAF]  }
0x2b: {  	s6 =	sld [smem:$0x3FB0]  }
0x2c: {  	s7 =	sld [smem:$0x3FB1]  }
0x2d: {  	s3 =	simm.s32 $0x108;
	s8 =	sld [smem:$0x3FB2]  }
0x2e: {  	s3 =	simm.s32 @!p0 $0x1082;
	s9 =	sld [smem:$0x3FB3]  }
0x2f: {  	lr =	sadd.s32 s0, s3;
	s0 =	sld [smem:$0x3FAA]  }
0x30: {  	s3 =	sld [smem:$0x3FAD]  }
0x31: {  	[smem:$0x3FB6] =	sst s10  }
0x32: {  	s10 =	sld [smem:$0x3FB4];
	_ =	sdelay $0x3  }
0x33: {  	p0 =	seq.s32 s10, $0x1;
	s10 =	sld [smem:$0x3FB6];
	_ =	sdelay $0x3  }
0x34: {  	[smem:$0x3FB6] =	sst s10  }
0x35: {  	s10 =	sld [smem:$0x3FB5];
	_ =	sdelay $0x3  }
0x36: {  	p1 =	seq.s32 s10, $0x1;
	s10 =	sld [smem:$0x3FB6];
	_ =	sdelay $0x3  }
0x37: {  	[smem:$0x3FB6] =	sst s10  }
0x38: {  	s10 =	sld [smem:$0x3FB7]  }
0x39: {  	_ = 	snop;
	(pc) =	sbr.ind lr, $3  }
0x3a: {  	_ = 	snop  }
0x3b: {  	_ = 	snop  }
0x3c: {  	p2 =	seq.s32 s10, $0x1;
	s10 =	sld [smem:$0x3FB6]  }
0x3d: {  	_ =	shalt  }
0x3e: {  	_ =	shalt  }
0x3f: {  	_ =	shalt  }
0x40: {  	_ =	shalt  }
0x41: {  	_ =	shalt  }
0x42: {  	_ =	shalt  }
0x43: {  	_ =	shalt  }
0x44: {  	_ =	shalt  }
0x45: {  	_ =	shalt  }
0x46: {  	_ =	shalt  }
0x47: {  	_ =	shalt  }
0x48: {  	_ =	shalt  }
0x49: {  	_ =	shalt  }
0x4a: {  	_ =	shalt  }
0x4b: {  	_ =	shalt  }
0x4c: {  	_ =	shalt  }
0x4d: {  	_ =	shalt  }
0x4e: {  	_ =	shalt  }
0x4f: {  	_ =	shalt  }
0x50: {  	_ =	shalt  }
0x51: {  	_ =	shalt  }
0x52: {  	_ =	shalt  }
0x53: {  	_ =	shalt  }
0x54: {  	_ =	shalt  }
0x55: {  	_ =	shalt  }
0x56: {  	_ =	shalt  }
0x57: {  	_ =	shalt  }
0x58: {  	_ =	shalt  }
0x59: {  	_ =	shalt  }
0x5a: {  	_ =	shalt  }
0x5b: {  	_ =	shalt  }
0x5c: {  	_ =	shalt  }
0x5d: {  	_ =	shalt  }
0x5e: {  	_ =	shalt  }
0x5f: {  	_ =	shalt  }
0x60: {  	_ =	shalt  }
0x61: {  	_ =	shalt  }
0x62: {  	_ =	shalt  }
0x63: {  	_ =	shalt  }
0x64: {  	_ =	shalt  }
0x65: {  	_ =	shalt  }
0x66: {  	_ =	shalt  }
0x67: {  	_ =	shalt  }
0x68: {  	_ =	shalt  }
0x69: {  	_ =	shalt  }
0x6a: {  	_ =	shalt  }
0x6b: {  	_ =	shalt  }
0x6c: {  	_ =	shalt  }
0x6d: {  	_ =	shalt  }
0x6e: {  	_ =	shalt  }
0x6f: {  	_ =	shalt  }
0x70: {  	_ =	shalt  }
0x71: {  	_ =	shalt  }
0x72: {  	_ =	shalt  }
0x73: {  	_ =	shalt  }
0x74: {  	_ =	shalt  }
0x75: {  	_ =	shalt  }
0x76: {  	_ =	shalt  }
0x77: {  	_ =	shalt  }
0x78: {  	_ =	shalt  }
0x79: {  	_ =	shalt  }
0x7a: {  	_ =	shalt  }
0x7b: {  	_ =	shalt  }
0x7c: {  	_ =	shalt  }
0x7d: {  	_ =	shalt  }
0x7e: {  	_ =	shalt  }
0x7f: {  	_ =	shalt  }
0x80: {  	_ =	shalt  }
0x81: {  	_ =	shalt  }
0x82: {  	_ =	shalt  }
0x83: {  	_ =	shalt  }
0x84: {  	_ =	shalt  }
0x85: {  	_ =	shalt  }
0x86: {  	_ =	shalt  }
0x87: {  	_ =	shalt  }
.Lfunc_end0:
.L_simem_size_0:
called_computation.2_lowered:
.L_overlay_start_0:
0x88: {  	s2 =	sld [smem:$0x3FD9]  }
0x89: {  	s3 =	sld [smem:$0x3FFE];
	_ =	sdelay $0x1  }
0x8a: {  	s1 =	srdreg.scid  }
0x8b: {  	s0 =	sand.u32 $0x1, s1  }
0x8c: {  	s17 =	sshll.u32 s0, $0xA;
	s2 =	sadd.s32 s3, s2  }
0x8d: {  	s2 =	sadd.s32 s2, s17  }
0x8e: {  	[smem:$0x3FC2] =	sst s2  }
0x8f: {  	_ = 	snop  }
0x90: {  	s18 =	sld [smem:$0x3FC8]  }
0x91: {  	s4 =	sld [smem:$0x3FD0];
	(tm) =	ssettm $0x1  }
0x92: {  	s19 =	sld [smem:$0x3FFB];
	_ =	sdelay $0x3  }
0x93: {  	_ =	strace s19  }
0x94: {  	s2 =	sld [smem:$0x3FFC];
	_ =	sdelay $0x3  }
0x95: {  	_ =	strace s2  }
0x96: {  	s2 =	sld [smem:$0x3FFD];
	_ =	sdelay $0x3  }
0x97: {  	_ =	strace s2  }
0x98: {  	_ =	strace $0x8FFFFFFF  }
0x99: {  	s20 =	sld [smem:$0x3FDB];
	_ =	sdelay $0x1  }
0x9a: {  	s5 =	simm.s32 $_scs_section_size  }
0x9b: {  	s6 =	simm.s32 $_size__tile_overlayer_lowered;
	s7 =	simm.s32 $_tile_overlayer_lowered  }
0x9c: {  	s8 =	simm.s32 $0x1BFF;
	s21 =	sshll.u32 s7, $0x1;
	s5 =	sadd.s32 s5, s20  }
0x9d: {  	s22 =	simm.s32 $0x0;
	s6 =	sshll.u32 s6, $0x1;
	s7 =	sadd.s32 s21, s5  }
0x9e: {  	[timem:s22], [sflag:s8] =	dma.local [hbm:s7], s6  }
0x9f: {  	_ =	swait.ge [sflag:s8], s6  }
0xa0: {  	s6 =	ssub.s32 $0x0, s6;
	[sflag:s8] =	ssyncset.done $0x0  }
0xa1: {  	[sflag:s8] =	ssyncadd.s32 s6;
	_ =	sdelay $0x1  }
0xa2: {  	s23 =	simm.s32 $0x1B8B  }
0xa3: {  	_ =	swait.ge [sflag:s23], $0x1  }
0xa4: {  	[sflag:s23] =	ssyncset.done $0x0  }
0xa5: {  	[sflag:s23] =	ssyncadd.s32 $0xFFFFFFFF  }
0xa6: {  	s6 =	sld [smem:$0x0]  }
0xa7: {  	s7 =	sand.u32 $0xFFFFFFFE, s1  }
0xa8: {  	p0 =	sne.s32 s1, s7  }
0xa9: {  	s7 =	sshll.u32 @p0 s7, $0xE  }
0xaa: {  	s7 =	sadd.s32 @p0 $0x11B8D, s7;
	s8 =	sshll.u32 @p0 s6, $0x11  }
0xab: {  	s7 =	sor.u32 @p0 s8, s7  }
0xac: {  	[sflag:s7] =	ssyncadd.remote.s32 @p0 $0x1;
	_ =	sdelay $0x1  }
0xad: {  	s7 =	simm.s32 @p0 $0x1B8D  }
0xae: {  	_ =	swait.eq @p0 [sflag:s7], $0x1  }
0xaf: {  	[sflag:s7] =	ssyncadd.s32 @p0 $0xFFFFFFFF  }
0xb0: {  	s8 =	sshll.u32 @!p0 s1, $0xE  }
0xb1: {  	s8 =	sor.u32 @!p0 $0x4000, s8;
	s7 =	simm.s32 @!p0 $0x1B8D  }
0xb2: {  	s6 =	sshll.u32 @!p0 s6, $0x11;
	s8 =	sadd.s32 @!p0 $0x11B8D, s8;
	_ =	swait.eq @!p0 [sflag:s7], $0x1  }
0xb3: {  	s6 =	sor.u32 @!p0 s6, s8;
	[sflag:s7] =	ssyncadd.s32 @!p0 $0xFFFFFFFF  }
0xb4: {  	s25 =	simm.s32 $0x1B8E;
	s24 =	sld [smem:$0x3FFE];
	[sflag:s6] =	ssyncadd.remote.s32 @!p0 $0x1  }
0xb5: {  	s26 =	simm.s32 $execute0_lowered;
	[smem:$0x3FD2] =	sst s25  }
0xb6: {  	s7 =	sshll.u32 s26, $0x1;
	_ =	strace $0x8000004C;
	[dreg:$0x1] =	wrdreg $0xFFFFFFFF  }
0xb7: {  	s28 =	simm.s32 $_size_execute0_lowered;
	s5 =	sadd.s32 s5, s7;
	[dreg:$0x0] =	wrdreg $0x0  }
0xb8: {  	s7 =	sshll.u32 s28, $0x1;
	[dreg:$0x2] =	wrdreg s5  }
0xb9: {  	[dreg:$0x3] =	wrdreg s7  }
0xba: {  	[dreg:$0x4] =	wrdreg $0xC0  }
0xbb: {  	_ =	task [dreg:s22], $0x5FFFF  }
0xbc: {  	[dreg:$0x1] =	wrdreg $0xFFFFFFFF  }
0xbd: {  	[dreg:$0x0] =	wrdreg $0x60  }
0xbe: {  	[dreg:$0x2] =	wrdreg s24  }
0xbf: {  	[dreg:$0x3] =	wrdreg s18  }
0xc0: {  	[dreg:$0x4] =	wrdreg s4  }
0xc1: {  	[dreg:$0x5] =	wrdreg $0xB  }
0xc2: {  	_ =	task.clear_ibuf [dreg:s22], $0x6FFFF;
	_ =	strace $0x9000004C  }
0xc3: {  	s29 =	simm.s32 $0xB;
	_ =	strace $0x8000004E  }
0xc4: {  	_ =	swait.ge [sflag:s29], $0x1  }
0xc5: {  	[sflag:s29] =	ssyncadd.s32 $0xFFFFFFFF  }
0xc6: {  	_ =	strace $0x9000004E  }
0xc7: {  	_ =	sfence  }
0xc8: {  	s30 =	sld [smem:$0x0];
	_ =	sdelay $0x2  }
0xc9: {  	s31 =	sshll.u32 s1, $0xD;
	s1 =	sshrl.u32 s1, $0x2  }
0xca: {  	s4 =	sand.u32 $0x4000, s31;
	s1 =	sadd.s32 s1, s30  }
0xcb: {  	s0 =	sor.u32 s4, s0;
	s1 =	sshll.u32 s1, $0x11  }
0xcc: {  	s0 =	sor.u32 s1, s0  }
0xcd: {  	s0 =	sadd.s32 $0x8F2B, s0  }
0xce: {  	[sflag:s0] =	ssyncadd.remote.s32 $0x1  }
0xcf: {  	_ =	sfence.sel $0xFFFF  }
0xd0: {  	[dreg:$0x0] =	wrdreg $0xFFFFFFFF;
	(pc) =	sbr.abs _section_cstart, $3  }
0xd1: {  	[dreg:$0x1] =	wrdreg $0xFFFFFFFF  }
0xd2: {  	_ =	task.clear_ibuf [dreg:s22], $0x2FFFF;
	_ =	strace $0x9FFFFFFF  }
0xd3: {  	(tm) =	ssettm $0x7FFFFFFF  }
tec
execute0_lowered:
.L_overlay_start_1:
0x0: {  	(tag) =	ssettag $0x1  }
0x1: {  	s1 =	srdreg.scid;
	s0 =	stileid.u32  }
0x2: {  	s4 =	rddreg [dreg:$0x0];
	s6 =	sand.u32 $0x1, s1;
	s30 =	sshll.u32 s0, $0x1  }
0x3: {  	s2 =	rddreg [dreg:$0x1];
	s8 =	sor.u32 s6, s30  }
0x4: {  	s9 =	rddreg [dreg:$0x2];
	s3 =	simm.s32 $0x0;
	s5 =	smul.u32 $0x30, s8  }
0x5: {  	[smem:$0x7FF] =	sst s3  }
0x6: {  	s1 =	rddreg [dreg:$0x3];
	_ =	strace $0x8000004D;
	s4 =	sadd.s32 s5, s4  }
0x7: {  	s10 =	ssub.s32 $0x2, s6;
	s5 =	sadd.s32 $0x154000, s4;
	s4 =	simm.s32 $0x2  }
0x8: {  	[tilespmem:s3], [sflag:$0x2] =	stream.linear.gather [hbm4b:s5+s3], $0x180, $0x38;
	[tilespmem:$0x18180] =	vst v63  }
0x9: {  	s11 =	sshrl.u32 s10, $0x1;
	_ =	swait.ge [sflag:s4], $0x180  }
0xa: {  	s7 =	simm.s32 $0x1;
	s10 =	ssub.s32 s10, s11;
	[sflag:s4] =	ssyncset.done $0x0  }
0xb: {  	s6 =	simm.s32 $0x180;
	s31 =	smax.u32 s10, $0x1;
	[sflag:s4] =	ssyncadd.s32 $0xFFFFFE80  }
0xc: {  	[tilespmem:s6], [sflag:$0x1] =	stream.indirect.gather [hbm4b:s2+s6], $0x80, s3, s6, $0xb8;
	[tilespmem:$0x18180] =	vst v63  }
0xd: {  	s8 =	smul.u32 $0x1800, s8;
	p0 =	sne.s32 s31, $0x1;
	_ =	swait.ge [sflag:s7], $0xC000  }
.Ltmp0:
0xe: {  	[sflag:s7] =	ssyncset.done $0x0;
	(pc) =	sbr.rel @!p0 .LBB2_2-.Ltmp0, $4  }
0xf: {  	s8 =	sadd.s32 s9, s8;
	[sflag:s7] =	ssyncadd.s32 $0xFFFF4000  }
0x10: {  	[hbm4b:s8+s3] =	stream.linear.scatter [tilespmem:s6], [sflag:$0x2], $0xC000, $0x38;
	[tilespmem:$0x18180] =	vst v63  }
0x11: {  	_ =	swait.ge [sflag:s4], $0xC000  }
0x12: {  	s9 =	sadd.s32 $0xFFFFFFFF, s31;
	[sflag:s4] =	ssyncset.done $0x0  }
.LBB2_1:
0x13: {  	p0 =	sne.s32 s9, $0x1;
	s9 =	sadd.s32 $0xFFFFFFFF, s9;
	[sflag:s4] =	ssyncadd.s32 $0xFFFF4000  }
0x14: {  	[tilespmem:s3], [sflag:$0x2] =	stream.linear.gather [hbm4b:s5+s3], $0x180, $0x38;
	[tilespmem:$0x18180] =	vst v63  }
0x15: {  	_ =	swait.ge [sflag:s4], $0x180  }
0x16: {  	[sflag:s4] =	ssyncset.done $0x0  }
0x17: {  	[sflag:s4] =	ssyncadd.s32 $0xFFFFFE80  }
0x18: {  	[tilespmem:s6], [sflag:$0x1] =	stream.indirect.gather [hbm4b:s2+s6], $0x80, s3, s6, $0xb8;
	[tilespmem:$0x18180] =	vst v63  }
0x19: {  	_ =	swait.ge [sflag:s7], $0xC000  }
.Ltmp1:
0x1a: {  	[sflag:s7] =	ssyncset.done $0x0;
	(pc) =	sbr.rel @p0 .LBB2_1-.Ltmp1, $4  }
0x1b: {  	[sflag:s7] =	ssyncadd.s32 $0xFFFF4000  }
0x1c: {  	[hbm4b:s8+s3] =	stream.linear.scatter [tilespmem:s6], [sflag:$0x2], $0xC000, $0x38;
	[tilespmem:$0x18180] =	vst v63  }
0x1d: {  	_ =	swait.ge [sflag:s4], $0xC000  }
0x1e: {  	[sflag:s4] =	ssyncset.done $0x0  }
.LBB2_2:
0x1f: {  	[sflag:s4] =	ssyncadd.s32 $0xFFFF4000  }
0x20: {  	_ =	sfence.sel $0x180000  }
0x21: {  	[bflag:$0x0] =	sbarrier.arrive $0xFFFF  }
0x22: {  	p0 =	sne.s32 s0, $0x0;
	_ =	strace $0x9000004D  }
0x23: {  	s0 =	sadd.s32 @!p0 $0x100000, s1;
	[bflag:$0x2] =	sbarrier.arrive $0xFFFF  }
0x24: {  	[sflag:s0] =	ssyncadd.tile.s32 @!p0 $0x1;
	_ =	shalt  }
.Lfunc_end2:
_tile_overlayer_lowered:
.L_overlay_start_2:
0x25: {  	(tag) =	ssettag $0x2  }
0x26: {  	s0 =	rddreg [dreg:$0x0];
	s2 =	stileid.u32  }
0x27: {  	s1 =	rddreg [dreg:$0x1];
	p0 =	sne.s32 s2, $0x0  }
0x28: {  	s3 =	rddreg [dreg:$0x2];
	[bflag:$0x3] =	sbarrier.arrive $0xFFFF;
	s2 =	simm.s32 @!p0 $0x1C02  }
0x29: {  	[timem:s3], [sflag:s2] =	dma.local @!p0 [hbm:s0], s1  }
0x2a: {  	s0 =	simm.s32 @!p0 $0x2  }
0x2b: {  	_ =	swait.ge @!p0 [sflag:s0], s1  }
0x2c: {  	s1 =	ssub.s32 @!p0 $0x0, s1;
	[sflag:s0] =	ssyncset.done @!p0 $0x0  }
0x2d: {  	[sflag:s0] =	ssyncadd.s32 @!p0 s1  }
0x2e: {  	[bflag:$0x3] =	sbarrier.arrive $0xFFFF  }
0x2f: {  	_ =	shalt  }

// kernel: kernel.8.cloned.1.call-start
scs
__scs_entry_jumppad:
0x0: {  	(pc) =	sbr.rel $0x88, $3  }
0x1: {  	(tag) =	ssettag $0x0;
	lr =	simm.s32 $0x1  }
0x2: {  	[smem:$0x3F9B] =	sst lr;
	_ =	strace $0xD0000000  }
0x3: {  	_ = 	snop  }
0x4: {  	_ = 	snop  }
0x5: {  	_ = 	snop  }
0x6: {  	_ = 	snop  }
0x7: {  	_ = 	snop  }
__scs_overlays_trampoline_lowered:
0x8: {  	[smem:$0x3FAA] =	sst s0  }
0x9: {  	[smem:$0x3FAB] =	sst s1  }
0xa: {  	[smem:$0x3FAC] =	sst s2  }
0xb: {  	[smem:$0x3FAD] =	sst s3  }
0xc: {  	[smem:$0x3FAE] =	sst s4  }
0xd: {  	[smem:$0x3FAF] =	sst s5  }
0xe: {  	[smem:$0x3FB0] =	sst s6  }
0xf: {  	[smem:$0x3FB1] =	sst s7  }
0x10: {  	[smem:$0x3FB2] =	sst s8  }
0x11: {  	[smem:$0x3FB3] =	sst s9;
	s0 =	simm.s32 @!p0 $0x0  }
0x12: {  	s1 =	sld [smem:$0x3F99];
	s0 =	simm.s32 @p0 $0x1  }
0x13: {  	[smem:$0x3FB4] =	sst s0;
	s0 =	simm.s32 @!p1 $0x0  }
0x14: {  	s2 =	sld [smem:$0x3F98];
	s0 =	simm.s32 @p1 $0x1  }
0x15: {  	[smem:$0x3FB5] =	sst s0;
	s0 =	simm.s32 @!p2 $0x0  }
0x16: {  	s3 =	sld [smem:$0x3FDB];
	s0 =	simm.s32 @p2 $0x1  }
0x17: {  	s4 =	simm.s32 $0x1BF5;
	[smem:$0x3FB7] =	sst s0  }
0x18: {  	s0 =	sld [smem:$0x3F9A];
	_ =	swait.ge [sflag:s4], $0x0  }
0x19: {  	s7 =	sld [smem:$0x3F9B]  }
0x1a: {  	s8 =	sadd.s32 $0xFFFFE003, lr  }
0x1b: {  	s9 =	sadd.s32 $0xFFFFFEF7, lr;
	s5 =	simm.s32 $0xFFFFFFFF;
	p2 =	slt.u32 s8, $0xFFFFF086  }
0x1c: {  	p1 =	slt.u32 s9, $0xF7A;
	s5 =	simm.s32 @!p2 $0x0  }
0x1d: {  	s5 =	simm.s32 @p1 $0x1;
	p0 =	seq.s32 s7, s2  }
0x1e: {  	s7 =	smul.u32 @!p0 $0xF7A, s2;
	p2 =	seq.s32 @!p0 s5, $0x0  }
0x1f: {  	s9 =	smul.u32 $0xF7A, s1;
	s8 =	simm.s32 @!p0 $0x1BF5;
	p2 =	por !p2, p0  }
0x20: {  	[sflag:s8] =	ssyncset.s32 @!p0 $0xFFFFF086;
	s6 =	sadd.s32 @!p0 s3, s7;
	s7 =	simm.s32 @!p0 $0x108  }
0x21: {  	s3 =	sadd.s32 s3, s9;
	s6 =	sadd.s32 @!p0 $0x88, s6;
	s7 =	simm.s32 @p2 $0x1082  }
0x22: {  	[simem:s7], [sflag:s8] =	dma.local @!p0 [hbm:s6], $0xF7A  }
0x23: {  	s9 =	sor.u32 $0xD0000000, s2;
	s6 =	simm.s32 $0x108;
	_ =	swait.ge @!p0 [sflag:s8], $0x0  }
0x24: {  	s3 =	sadd.s32 $0x88, s3;
	s6 =	simm.s32 @!p1 $0x1082;
	[sflag:s4] =	ssyncset.s32 $0xFFFFF086  }
0x25: {  	[simem:s6], [sflag:s4] =	dma.local [hbm:s3], $0xF7A  }
0x26: {  	[smem:$0x3F9B] =	sst s1;
	(tag) =	ssettag s2;
	_ =	strace s9  }
0x27: {  	s1 =	sld [smem:$0x3FAB]  }
0x28: {  	s2 =	sld [smem:$0x3FAC]  }
0x29: {  	s4 =	sld [smem:$0x3FAE]  }
0x2a: {  	p0 =	seq.s32 s5, $0x0;
	s5 =	sld [smem:$0x3FAF]  }
0x2b: {  	s6 =	sld [smem:$0x3FB0]  }
0x2c: {  	s7 =	sld [smem:$0x3FB1]  }
0x2d: {  	s3 =	simm.s32 $0x108;
	s8 =	sld [smem:$0x3FB2]  }
0x2e: {  	s3 =	simm.s32 @!p0 $0x1082;
	s9 =	sld [smem:$0x3FB3]  }
0x2f: {  	lr =	sadd.s32 s0, s3;
	s0 =	sld [smem:$0x3FAA]  }
0x30: {  	s3 =	sld [smem:$0x3FAD]  }
0x31: {  	[smem:$0x3FB6] =	sst s10  }
0x32: {  	s10 =	sld [smem:$0x3FB4];
	_ =	sdelay $0x3  }
0x33: {  	p0 =	seq.s32 s10, $0x1;
	s10 =	sld [smem:$0x3FB6];
	_ =	sdelay $0x3  }
0x34: {  	[smem:$0x3FB6] =	sst s10  }
0x35: {  	s10 =	sld [smem:$0x3FB5];
	_ =	sdelay $0x3  }
0x36: {  	p1 =	seq.s32 s10, $0x1;
	s10 =	sld [smem:$0x3FB6];
	_ =	sdelay $0x3  }
0x37: {  	[smem:$0x3FB6] =	sst s10  }
0x38: {  	s10 =	sld [smem:$0x3FB7]  }
0x39: {  	_ = 	snop;
	(pc) =	sbr.ind lr, $3  }
0x3a: {  	_ = 	snop  }
0x3b: {  	_ = 	snop  }
0x3c: {  	p2 =	seq.s32 s10, $0x1;
	s10 =	sld [smem:$0x3FB6]  }
0x3d: {  	_ =	shalt  }
0x3e: {  	_ =	shalt  }
0x3f: {  	_ =	shalt  }
0x40: {  	_ =	shalt  }
0x41: {  	_ =	shalt  }
0x42: {  	_ =	shalt  }
0x43: {  	_ =	shalt  }
0x44: {  	_ =	shalt  }
0x45: {  	_ =	shalt  }
0x46: {  	_ =	shalt  }
0x47: {  	_ =	shalt  }
0x48: {  	_ =	shalt  }
0x49: {  	_ =	shalt  }
0x4a: {  	_ =	shalt  }
0x4b: {  	_ =	shalt  }
0x4c: {  	_ =	shalt  }
0x4d: {  	_ =	shalt  }
0x4e: {  	_ =	shalt  }
0x4f: {  	_ =	shalt  }
0x50: {  	_ =	shalt  }
0x51: {  	_ =	shalt  }
0x52: {  	_ =	shalt  }
0x53: {  	_ =	shalt  }
0x54: {  	_ =	shalt  }
0x55: {  	_ =	shalt  }
0x56: {  	_ =	shalt  }
0x57: {  	_ =	shalt  }
0x58: {  	_ =	shalt  }
0x59: {  	_ =	shalt  }
0x5a: {  	_ =	shalt  }
0x5b: {  	_ =	shalt  }
0x5c: {  	_ =	shalt  }
0x5d: {  	_ =	shalt  }
0x5e: {  	_ =	shalt  }
0x5f: {  	_ =	shalt  }
0x60: {  	_ =	shalt  }
0x61: {  	_ =	shalt  }
0x62: {  	_ =	shalt  }
0x63: {  	_ =	shalt  }
0x64: {  	_ =	shalt  }
0x65: {  	_ =	shalt  }
0x66: {  	_ =	shalt  }
0x67: {  	_ =	shalt  }
0x68: {  	_ =	shalt  }
0x69: {  	_ =	shalt  }
0x6a: {  	_ =	shalt  }
0x6b: {  	_ =	shalt  }
0x6c: {  	_ =	shalt  }
0x6d: {  	_ =	shalt  }
0x6e: {  	_ =	shalt  }
0x6f: {  	_ =	shalt  }
0x70: {  	_ =	shalt  }
0x71: {  	_ =	shalt  }
0x72: {  	_ =	shalt  }
0x73: {  	_ =	shalt  }
0x74: {  	_ =	shalt  }
0x75: {  	_ =	shalt  }
0x76: {  	_ =	shalt  }
0x77: {  	_ =	shalt  }
0x78: {  	_ =	shalt  }
0x79: {  	_ =	shalt  }
0x7a: {  	_ =	shalt  }
0x7b: {  	_ =	shalt  }
0x7c: {  	_ =	shalt  }
0x7d: {  	_ =	shalt  }
0x7e: {  	_ =	shalt  }
0x7f: {  	_ =	shalt  }
0x80: {  	_ =	shalt  }
0x81: {  	_ =	shalt  }
0x82: {  	_ =	shalt  }
0x83: {  	_ =	shalt  }
0x84: {  	_ =	shalt  }
0x85: {  	_ =	shalt  }
0x86: {  	_ =	shalt  }
0x87: {  	_ =	shalt  }
.Lfunc_end0:
.L_simem_size_0:
called_computation_lowered:
.L_overlay_start_0:
0x88: {  	s2 =	sld [smem:$0x3FD9]  }
0x89: {  	s3 =	sld [smem:$0x3FFE];
	_ =	sdelay $0x1  }
0x8a: {  	s1 =	srdreg.scid  }
0x8b: {  	s0 =	sand.u32 $0x1, s1  }
0x8c: {  	s17 =	sshll.u32 s0, $0xA;
	s2 =	sadd.s32 s3, s2  }
0x8d: {  	s2 =	sadd.s32 s2, s17  }
0x8e: {  	[smem:$0x3FC2] =	sst s2  }
0x8f: {  	_ = 	snop  }
0x90: {  	s2 =	sld [smem:$0x3FC8];
	(tm) =	ssettm $0x1  }
0x91: {  	s18 =	sld [smem:$0x3FFB];
	_ =	sdelay $0x3  }
0x92: {  	_ =	strace s18  }
0x93: {  	s3 =	sld [smem:$0x3FFC];
	_ =	sdelay $0x3  }
0x94: {  	_ =	strace s3  }
0x95: {  	s3 =	sld [smem:$0x3FFD];
	_ =	sdelay $0x3  }
0x96: {  	_ =	strace s3  }
0x97: {  	_ =	strace $0x8FFFFFFF  }
0x98: {  	s19 =	sld [smem:$0x3FDB];
	_ =	sdelay $0x1  }
0x99: {  	s4 =	simm.s32 $_scs_section_size  }
0x9a: {  	s5 =	simm.s32 $_size__tile_overlayer_lowered;
	s6 =	simm.s32 $_tile_overlayer_lowered  }
0x9b: {  	s22 =	simm.s32 $0x1BFF;
	s21 =	sshll.u32 s6, $0x1;
	s3 =	sadd.s32 s4, s19  }
0x9c: {  	s7 =	simm.s32 $0x0;
	s20 =	sshll.u32 s5, $0x1;
	s5 =	sadd.s32 s21, s3  }
0x9d: {  	[timem:s7], [sflag:s22] =	dma.local [hbm:s5], s20  }
0x9e: {  	_ =	swait.ge [sflag:s22], s20  }
0x9f: {  	s4 =	ssub.s32 $0x0, s20;
	[sflag:s22] =	ssyncset.done $0x0  }
0xa0: {  	[sflag:s22] =	ssyncadd.s32 s4;
	_ =	sdelay $0x1  }
0xa1: {  	s23 =	simm.s32 $0x1B8B  }
0xa2: {  	_ =	swait.ge [sflag:s23], $0x1  }
0xa3: {  	[sflag:s23] =	ssyncset.done $0x0  }
0xa4: {  	s25 =	simm.s32 $0x1B8E;
	s24 =	sld [smem:$0x3FFE];
	[sflag:s23] =	ssyncadd.s32 $0xFFFFFFFF  }
0xa5: {  	s26 =	simm.s32 $execute0_lowered;
	[smem:$0x3FD2] =	sst s25  }
0xa6: {  	s5 =	sshll.u32 s26, $0x1;
	_ =	strace $0x80000046;
	[dreg:$0x1] =	wrdreg $0xFFFFFFFF  }
0xa7: {  	s28 =	simm.s32 $_size_execute0_lowered;
	s3 =	sadd.s32 s3, s5;
	[dreg:$0x0] =	wrdreg $0x0  }
0xa8: {  	s5 =	sshll.u32 s28, $0x1;
	[dreg:$0x2] =	wrdreg s3  }
0xa9: {  	[dreg:$0x3] =	wrdreg s5  }
0xaa: {  	[dreg:$0x4] =	wrdreg $0xC0  }
0xab: {  	_ =	task [dreg:s7], $0x5FFFF  }
0xac: {  	[dreg:$0x1] =	wrdreg $0xFFFFFFFF  }
0xad: {  	[dreg:$0x0] =	wrdreg $0x60  }
0xae: {  	[dreg:$0x2] =	wrdreg s24  }
0xaf: {  	[dreg:$0x3] =	wrdreg s2  }
0xb0: {  	[dreg:$0x4] =	wrdreg $0x9  }
0xb1: {  	_ =	task.clear_ibuf [dreg:s7], $0x5FFFF;
	_ =	strace $0x90000046  }
0xb2: {  	s29 =	simm.s32 $0x9;
	_ =	strace $0x80000048  }
0xb3: {  	_ =	swait.ge [sflag:s29], $0x1  }
0xb4: {  	[sflag:s29] =	ssyncadd.s32 $0xFFFFFFFF  }
0xb5: {  	_ =	strace $0x90000048  }
0xb6: {  	_ =	sfence  }
0xb7: {  	s30 =	sld [smem:$0x0];
	_ =	sdelay $0x2  }
0xb8: {  	s31 =	sshll.u32 s1, $0xD;
	s1 =	sshrl.u32 s1, $0x2  }
0xb9: {  	s3 =	sand.u32 $0x4000, s31;
	s1 =	sadd.s32 s1, s30  }
0xba: {  	s0 =	sor.u32 s3, s0;
	s1 =	sshll.u32 s1, $0x11  }
0xbb: {  	s0 =	sor.u32 s1, s0  }
0xbc: {  	s0 =	sadd.s32 $0x8F2B, s0  }
0xbd: {  	[sflag:s0] =	ssyncadd.remote.s32 $0x1  }
0xbe: {  	_ =	sfence.sel $0xFFFF  }
0xbf: {  	[dreg:$0x0] =	wrdreg $0xFFFFFFFF;
	(pc) =	sbr.abs _section_cstart, $3  }
0xc0: {  	[dreg:$0x1] =	wrdreg $0xFFFFFFFF  }
0xc1: {  	_ =	task.clear_ibuf [dreg:s7], $0x2FFFF;
	_ =	strace $0x9FFFFFFF  }
0xc2: {  	(tm) =	ssettm $0x7FFFFFFF  }
0xc3: {  	_ =	shalt  }
tec
execute0_lowered:
.L_overlay_start_1:
0x0: {  	(tag) =	ssettag $0x1  }
0x1: {  	s1 =	srdreg.scid;
	s0 =	stileid.u32  }
0x2: {  	s16 =	sand.u32 $0x1, s1;
	s30 =	sshll.u32 s0, $0x1  }
0x3: {  	s10 =	rddreg [dreg:$0x0];
	s14 =	sor.u32 s16, s30  }
0x4: {  	s2 =	rddreg [dreg:$0x1];
	s4 =	smul.u32 $0xC0, s14  }
0x5: {  	s3 =	simm.s32 $0x0;
	s1 =	rddreg [dreg:$0x2]  }
0x6: {  	[smem:$0x7FF] =	sst s3;
	s4 =	sadd.s32 s4, s10  }
0x7: {  	_ =	strace $0x80000047;
	s5 =	sadd.s32 $0x1600, s4;
	s4 =	simm.s32 $0x3  }
0x8: {  	[tilespmem:s3], [sflag:$0x3] =	stream.linear.gather [hbm4b:s5+s3], $0x600, $0x38;
	[tilespmem:$0x18600] =	vst v63  }
0x9: {  	_ =	swait.ge [sflag:s4], $0x600  }
0xa: {  	[sflag:s4] =	ssyncset.done $0x0  }
0xb: {  	s6 =	simm.s32 $0x180;
	s7 =	simm.s32 $0x600;
	[sflag:s4] =	ssyncadd.s32 $0xFFFFFA00  }
0xc: {  	[tilespmem:s7], [sflag:$0x1] =	stream.indirect.gather [hbm4b:s2+s6], $0x80, s3, s6, $0xb8;
	[tilespmem:$0x18600] =	vst v63  }
0xd: {  	s8 =	simm.s32 $0xC600;
	s9 =	simm.s32 $0x1  }
0xe: {  	[tilespmem:s8], [sflag:$0x2] =	stream.indirect.gather [hbm4b:s2+s6], $0x80, s6, s6, $0xb8;
	[tilespmem:$0x18600] =	vst v63  }
0xf: {  	s11 =	smul.u32 $0x6000, s14;
	_ =	swait.ge [sflag:s9], $0xC000  }
0x10: {  	s15 =	sadd.s32 $0x2E00, s10;
	[sflag:s9] =	ssyncset.done $0x0  }
0x11: {  	s10 =	sadd.s32 s15, s11;
	[sflag:s9] =	ssyncadd.s32 $0xFFFF4000  }
0x12: {  	[hbm4b:s10+s3] =	stream.linear.scatter [tilespmem:s7], [sflag:$0x3], $0xC000, $0x38;
	[tilespmem:$0x18600] =	vst v63  }
0x13: {  	_ =	swait.ge [sflag:s4], $0xC000  }
0x14: {  	[sflag:s4] =	ssyncset.done $0x0  }
0x15: {  	s12 =	simm.s32 $0x2;
	s11 =	simm.s32 $0x300;
	[sflag:s4] =	ssyncadd.s32 $0xFFFF4000  }
0x16: {  	[tilespmem:s7], [sflag:$0x1] =	stream.indirect.gather [hbm4b:s2+s6], $0x80, s11, s6, $0xb8;
	[tilespmem:$0x18600] =	vst v63  }
0x17: {  	_ =	swait.ge [sflag:s12], $0xC000  }
0x18: {  	[sflag:s12] =	ssyncset.done $0x0  }
0x19: {  	s13 =	sadd.s32 $0x1800, s10;
	[sflag:s12] =	ssyncadd.s32 $0xFFFF4000  }
0x1a: {  	[hbm4b:s13+s3] =	stream.linear.scatter [tilespmem:s8], [sflag:$0x3], $0xC000, $0x38;
	[tilespmem:$0x18600] =	vst v63  }
0x1b: {  	_ =	swait.ge [sflag:s4], $0xC000  }
0x1c: {  	[sflag:s4] =	ssyncset.done $0x0  }
0x1d: {  	s17 =	smul.u32 $0x30000, s14;
	s14 =	simm.s32 $0x480;
	[sflag:s4] =	ssyncadd.s32 $0xFFFF4000  }
0x1e: {  	[tilespmem:s8], [sflag:$0x2] =	stream.indirect.gather [hbm4b:s2+s6], $0x80, s14, s6, $0xb8;
	[tilespmem:$0x18600] =	vst v63  }
0x1f: {  	s17 =	sshrl.u32 s17, $0x3;
	_ =	swait.ge [sflag:s9], $0xC000  }
0x20: {  	s17 =	sadd.s32 s15, s17;
	[sflag:s9] =	ssyncset.done $0x0  }
0x21: {  	s16 =	ssub.s32 $0x2, s16;
	s15 =	sadd.s32 $0x3000, s17;
	[sflag:s9] =	ssyncadd.s32 $0xFFFF4000  }
0x22: {  	[hbm4b:s15+s3] =	stream.linear.scatter [tilespmem:s7], [sflag:$0x3], $0xC000, $0x38;
	[tilespmem:$0x18600] =	vst v63  }
0x23: {  	s18 =	sshrl.u32 s16, $0x1;
	_ =	swait.ge [sflag:s4], $0xC000  }
0x24: {  	s18 =	ssub.s32 s16, s18;
	[sflag:s4] =	ssyncset.done $0x0  }
0x25: {  	s31 =	smax.u32 s18, $0x1;
	[sflag:s4] =	ssyncadd.s32 $0xFFFF4000  }
0x26: {  	p0 =	sne.s32 s31, $0x1;
	_ =	swait.ge [sflag:s12], $0xC000  }
.Ltmp0:
0x27: {  	[sflag:s12] =	ssyncset.done $0x0;
	(pc) =	sbr.rel @!p0 .LBB2_2-.Ltmp0, $4  }
0x28: {  	s16 =	sadd.s32 $0x4800, s17;
	[sflag:s12] =	ssyncadd.s32 $0xFFFF4000  }
0x29: {  	[hbm4b:s16+s3] =	stream.linear.scatter [tilespmem:s8], [sflag:$0x3], $0xC000, $0x38;
	[tilespmem:$0x18600] =	vst v63  }
0x2a: {  	_ =	swait.ge [sflag:s4], $0xC000  }
0x2b: {  	s17 =	sadd.s32 $0xFFFFFFFF, s31;
	[sflag:s4] =	ssyncset.done $0x0  }
.LBB2_1:
0x2c: {  	p0 =	sne.s32 s17, $0x1;
	s17 =	sadd.s32 $0xFFFFFFFF, s17;
	[sflag:s4] =	ssyncadd.s32 $0xFFFF4000  }
0x2d: {  	[tilespmem:s3], [sflag:$0x3] =	stream.linear.gather [hbm4b:s5+s3], $0x600, $0x38;
	[tilespmem:$0x18600] =	vst v63  }
0x2e: {  	_ =	swait.ge [sflag:s4], $0x600  }
0x2f: {  	[sflag:s4] =	ssyncset.done $0x0  }
0x30: {  	[sflag:s4] =	ssyncadd.s32 $0xFFFFFA00  }
0x31: {  	[tilespmem:s7], [sflag:$0x1] =	stream.indirect.gather [hbm4b:s2+s6], $0x80, s3, s6, $0xb8;
	[tilespmem:$0x18600] =	vst v63  }
0x32: {  	_ = 	snop  }
0x33: {  	[tilespmem:s8], [sflag:$0x2] =	stream.indirect.gather [hbm4b:s2+s6], $0x80, s6, s6, $0xb8;
	[tilespmem:$0x18600] =	vst v63  }
0x34: {  	_ =	swait.ge [sflag:s9], $0xC000  }
0x35: {  	[sflag:s9] =	ssyncset.done $0x0  }
0x36: {  	[sflag:s9] =	ssyncadd.s32 $0xFFFF4000  }
0x37: {  	[hbm4b:s10+s3] =	stream.linear.scatter [tilespmem:s7], [sflag:$0x3], $0xC000, $0x38;
	[tilespmem:$0x18600] =	vst v63  }
0x38: {  	_ =	swait.ge [sflag:s4], $0xC000  }
0x39: {  	[sflag:s4] =	ssyncset.done $0x0  }
0x3a: {  	[sflag:s4] =	ssyncadd.s32 $0xFFFF4000  }
0x3b: {  	[tilespmem:s7], [sflag:$0x1] =	stream.indirect.gather [hbm4b:s2+s6], $0x80, s11, s6, $0xb8;
	[tilespmem:$0x18600] =	vst v63  }
0x3c: {  	_ =	swait.ge [sflag:s12], $0xC000  }
0x3d: {  	[sflag:s12] =	ssyncset.done $0x0  }
0x3e: {  	[sflag:s12] =	ssyncadd.s32 $0xFFFF4000  }
0x3f: {  	[hbm4b:s13+s3] =	stream.linear.scatter [tilespmem:s8], [sflag:$0x3], $0xC000, $0x38;
	[tilespmem:$0x18600] =	vst v63  }
0x40: {  	_ =	swait.ge [sflag:s4], $0xC000  }
0x41: {  	[sflag:s4] =	ssyncset.done $0x0  }
0x42: {  	[sflag:s4] =	ssyncadd.s32 $0xFFFF4000  }
0x43: {  	[tilespmem:s8], [sflag:$0x2] =	stream.indirect.gather [hbm4b:s2+s6], $0x80, s14, s6, $0xb8;
	[tilespmem:$0x18600] =	vst v63  }
0x44: {  	_ =	swait.ge [sflag:s9], $0xC000  }
0x45: {  	[sflag:s9] =	ssyncset.done $0x0  }
0x46: {  	[sflag:s9] =	ssyncadd.s32 $0xFFFF4000  }
0x47: {  	[hbm4b:s15+s3] =	stream.linear.scatter [tilespmem:s7], [sflag:$0x3], $0xC000, $0x38;
	[tilespmem:$0x18600] =	vst v63  }
0x48: {  	_ =	swait.ge [sflag:s4], $0xC000  }
0x49: {  	[sflag:s4] =	ssyncset.done $0x0  }
0x4a: {  	[sflag:s4] =	ssyncadd.s32 $0xFFFF4000  }
0x4b: {  	_ =	swait.ge [sflag:s12], $0xC000  }
.Ltmp1:
0x4c: {  	[sflag:s12] =	ssyncset.done $0x0;
	(pc) =	sbr.rel @p0 .LBB2_1-.Ltmp1, $4  }
0x4d: {  	[sflag:s12] =	ssyncadd.s32 $0xFFFF4000  }
0x4e: {  	[hbm4b:s16+s3] =	stream.linear.scatter [tilespmem:s8], [sflag:$0x3], $0xC000, $0x38;
	[tilespmem:$0x18600] =	vst v63  }
0x4f: {  	_ =	swait.ge [sflag:s4], $0xC000  }
0x50: {  	[sflag:s4] =	ssyncset.done $0x0  }
.LBB2_2:
0x51: {  	[sflag:s4] =	ssyncadd.s32 $0xFFFF4000  }
0x52: {  	_ =	sfence.sel $0x180000  }
0x53: {  	[bflag:$0x0] =	sbarrier.arrive $0xFFFF  }
0x54: {  	p0 =	sne.s32 s0, $0x0;
	_ =	strace $0x90000047  }
0x55: {  	s0 =	sadd.s32 @!p0 $0x100000, s1;
	[bflag:$0x2] =	sbarrier.arrive $0xFFFF  }
0x56: {  	[sflag:s0] =	ssyncadd.tile.s32 @!p0 $0x1;
	_ =	shalt  }
.Lfunc_end2:
_tile_overlayer_lowered:
.L_overlay_start_2:
0x57: {  	(tag) =	ssettag $0x2  }
0x58: {  	s0 =	rddreg [dreg:$0x0];
	s2 =	stileid.u32  }
0x59: {  	s1 =	rddreg [dreg:$0x1];
	p0 =	sne.s32 s2, $0x0  }
0x5a: {  	s3 =	rddreg [dreg:$0x2];
	[bflag:$0x3] =	sbarrier.arrive $0xFFFF;
	s2 =	simm.s32 @!p0 $0x1C03  }
0x5b: {  	[timem:s3], [sflag:s2] =	dma.local @!p0 [hbm:s0], s1  }
0x5c: {  	s0 =	simm.s32 @!p0 $0x3  }
0x5d: {  	_ =	swait.ge @!p0 [sflag:s0], s1  }
0x5e: {  	s1 =	ssub.s32 @!p0 $0x0, s1;
	[sflag:s0] =	ssyncset.done @!p0 $0x0  }
0x5f: {  	[sflag:s0] =	ssyncadd.s32 @!p0 s1  }
0x60: {  	[bflag:$0x3] =	sbarrier.arrive $0xFFFF  }
0x61: {  	_ =	shalt  }

</sc_bundles>
